<compile_context>
chip_gen: v7x
topology: tpu7x:2x2x1
jax: 0.10.2.dev20260603
libtpu: 0.0.44.dev20260713+nightly
codegen_flags: <defaults>
</compile_context>

<pallas_src>
import functools

import jax
import jax.numpy as jnp
import numpy as np
from jax import lax
from jax.experimental import pallas as pl
from jax.experimental.pallas import tpu as pltpu
from jax.experimental.pallas import tpu_sc as plsc

LOG2 = float(np.log(2.0))
_PREC = lax.Precision.HIGHEST


def _ssp(v):
    return jax.nn.softplus(v) - LOG2


def _make_filter_body(BE):
    def _filter_body(f_ref, r_ref, wf1t_ref, bf1_ref, wf2t_ref, bf2_ref,
                     w_ref, c_ref):
        h = jnp.dot(f_ref[...], wf1t_ref[...],
                    preferred_element_type=jnp.float32,
                    precision=_PREC) + bf1_ref[...]
        h = _ssp(h)
        w_ref[...] = jnp.dot(h, wf2t_ref[...],
                             preferred_element_type=jnp.float32) + bf2_ref[...]
        r = r_ref[...]
        c = 0.5 * (jnp.cos(r * np.pi) + 1.0) * (r < 1.0).astype(jnp.float32)
        c_ref[...] = c.reshape(BE)
    return _filter_body


def _edge_filters(f_ij, r_ij, Wf1, bf1, Wf2, bf2, BE=512):
    E, G = f_ij.shape
    F = Wf1.shape[0]
    grid = (E // BE,)
    return pl.pallas_call(
        _make_filter_body(BE),
        grid=grid,
        in_specs=[
            pl.BlockSpec((BE, G), lambda i: (i, 0)),
            pl.BlockSpec((1, BE // 128, 128), lambda i: (i, 0, 0)),
            pl.BlockSpec((G, F), lambda i: (0, 0)),
            pl.BlockSpec((1, F), lambda i: (0, 0)),
            pl.BlockSpec((F, F), lambda i: (0, 0)),
            pl.BlockSpec((1, F), lambda i: (0, 0)),
        ],
        out_specs=[
            pl.BlockSpec((BE, F), lambda i: (i, 0)),
            pl.BlockSpec((BE,), lambda i: (i,)),
        ],
        out_shape=[
            jax.ShapeDtypeStruct((E, F), jnp.float32),
            jax.ShapeDtypeStruct((E,), jnp.float32),
        ],
    )(f_ij, r_ij.reshape(E // BE, BE // 128, 128), Wf1.T, bf1.reshape(1, F),
      Wf2.T, bf2.reshape(1, F))


def _linear_body(x_ref, wt_ref, o_ref):
    o_ref[...] = jnp.dot(x_ref[...], wt_ref[...],
                         preferred_element_type=jnp.float32, precision=_PREC)


def _node_linear(x, W, BN=2000):
    N, D = x.shape
    F = W.shape[0]
    return pl.pallas_call(
        _linear_body,
        grid=(N // BN,),
        in_specs=[
            pl.BlockSpec((BN, D), lambda i: (i, 0)),
            pl.BlockSpec((D, F), lambda i: (0, 0)),
        ],
        out_specs=pl.BlockSpec((BN, F), lambda i: (i, 0)),
        out_shape=jax.ShapeDtypeStruct((N, F), jnp.float32),
    )(x, W.T)


def _head_body(a_ref, wt_ref, b_ref, o_ref):
    a = a_ref[0] + a_ref[1]
    o_ref[...] = _ssp(jnp.dot(a, wt_ref[...],
                              preferred_element_type=jnp.float32,
                              precision=_PREC) + b_ref[...])


def _out_head(agg2, W_out, b_out, BN=2048):
    _, Np, F = agg2.shape
    O = W_out.shape[0]
    return pl.pallas_call(
        _head_body,
        grid=(Np // BN,),
        in_specs=[
            pl.BlockSpec((2, BN, F), lambda i: (0, i, 0)),
            pl.BlockSpec((F, O), lambda i: (0, 0)),
            pl.BlockSpec((1, O), lambda i: (0, 0)),
        ],
        out_specs=pl.BlockSpec((BN, O), lambda i: (i, 0)),
        out_shape=jax.ShapeDtypeStruct((Np, O), jnp.float32),
    )(agg2, W_out.T, b_out.reshape(1, O))


def _make_sc_agg(N, Np, E, F, K=80):
    NC, NS = 2, 16
    NW = NC * NS
    RPT = Np // NS
    EPW = E // NW
    n_chunks = EPW // K
    mesh = plsc.VectorSubcoreMesh(core_axis_name="c", subcore_axis_name="s")

    @functools.partial(
        pl.kernel,
        out_type=jax.ShapeDtypeStruct((NC, Np, F), jnp.float32),
        mesh=mesh,
        compiler_params=pltpu.CompilerParams(needs_layout_passes=False),
        scratch_types=[
            pltpu.VMEM_SHARED((Np, F), jnp.float32),
            pltpu.VMEM((K,), jnp.int32),
            pltpu.VMEM((K,), jnp.int32),
            pltpu.VMEM((K, F), jnp.float32),
            pltpu.VMEM((K, F), jnp.float32),
            pltpu.VMEM((K,), jnp.float32),
            pltpu.SemaphoreType.DMA,
        ],
    )
    def sc_agg(xf_hbm, w_hbm, c_hbm, indi_hbm, indj_hbm, z_hbm, out_hbm,
               agg_sp, idxj_v, idxi_v, rows_v, w_v, c_v, sem):
        c = lax.axis_index("c")
        s = lax.axis_index("s")
        row0 = s * RPT
        pltpu.sync_copy(z_hbm.at[pl.ds(row0, RPT)],
                        agg_sp.at[pl.ds(row0, RPT)])
        plsc.subcore_barrier()

        ebase = (s * NC + c) * EPW

        def chunk(k, _):
            off = ebase + k * K
            pltpu.sync_copy(indj_hbm.at[pl.ds(off, K)], idxj_v)
            pltpu.sync_copy(indi_hbm.at[pl.ds(off, K)], idxi_v)
            pltpu.sync_copy(c_hbm.at[pl.ds(off, K)], c_v)
            pltpu.async_copy(xf_hbm.at[idxj_v], rows_v, sem).wait()
            pltpu.sync_copy(w_hbm.at[pl.ds(off, K)], w_v)

            def mul(e, _):
                cb = plsc.load_gather(c_v, [jnp.full((16,), e, jnp.int32)])
                for d in range(F // 16):
                    sl = pl.ds(d * 16, 16)
                    rows_v[e, sl] = rows_v[e, sl] * w_v[e, sl] * cb
                return 0

            lax.fori_loop(0, K, mul, 0, unroll=4)
            pltpu.sync_copy(rows_v, agg_sp.at[idxi_v], add=True)
            return 0

        lax.fori_loop(0, n_chunks, chunk, 0)
        plsc.subcore_barrier()
        pltpu.sync_copy(agg_sp.at[pl.ds(row0, RPT)],
                        out_hbm.at[c, pl.ds(row0, RPT)])

    return sc_agg


def kernel(x, r_ij, f_ij, ind_i, ind_j, W_in2f, Wf1, bf1, Wf2, bf2,
           W_out, b_out):
    N, D = x.shape
    E = ind_i.shape[0]
    F = Wf1.shape[0]
    Np = 10240 if N == 10000 else ((N + 1023) // 1024) * 1024
    W, C = _edge_filters(f_ij, r_ij, Wf1, bf1, Wf2, bf2)
    xf = _node_linear(x, W_in2f)
    z = jnp.zeros((Np, F), jnp.float32)
    sc = _make_sc_agg(N, Np, E, F)
    agg2 = sc(xf, W, C, ind_i.astype(jnp.int32), ind_j.astype(jnp.int32), z)
    return _out_head(agg2, W_out, b_out)[:N]

# --- scband reference (transcript-rebuilt; emitter-appended) ---
"""Pipeline reference for scband-cfconv-7928509628808 (READ-ONLY COPY).

The authoritative reference and input builder live on the scoring server;
editing this copy changes nothing except your own understanding.
"""

import jax, jax.numpy as jnp
import numpy as np

LOG2 = float(np.log(2.0))

def ssp(x):
    # ShiftedSoftplus: softplus(x) - log(2)
    return jax.nn.softplus(x) - LOG2

def setup_inputs(seed: int = 0) -> dict:
    key = jax.random.key(seed)
    ks = jax.random.split(key, 10)
    N, E, D, F, G, O = 10000, 320000, 128, 128, 16, 128
    x = jax.random.normal(ks[0], (N, D), dtype=jnp.float32)
    r_ij = jax.random.uniform(ks[1], (E,), dtype=jnp.float32)
    f_ij = jax.random.normal(ks[2], (E, G), dtype=jnp.float32)
    ind_i = jax.random.randint(ks[3], (E,), 0, N)
    ind_j = jax.random.randint(ks[4], (E,), 0, N)
    def lin(k, out_f, in_f):
        return jax.random.normal(k, (out_f, in_f), dtype=jnp.float32) * (1.0 / np.sqrt(in_f))
    W_in2f = lin(ks[5], F, D)              # nn.Linear(dim, n_filters, bias=False)
    Wf1 = lin(ks[6], F, G)                 # filter_network layer 1
    bf1 = jnp.zeros((F,), dtype=jnp.float32)
    Wf2 = lin(ks[7], F, F)                 # filter_network layer 2
    bf2 = jnp.zeros((F,), dtype=jnp.float32)
    W_out = lin(ks[8], O, F)               # f2out Linear
    b_out = jnp.zeros((O,), dtype=jnp.float32)
    return dict(x=x, r_ij=r_ij, f_ij=f_ij, ind_i=ind_i, ind_j=ind_j,
                W_in2f=W_in2f, Wf1=Wf1, bf1=bf1, Wf2=Wf2, bf2=bf2,
                W_out=W_out, b_out=b_out)

def reference(x, r_ij, f_ij, ind_i, ind_j, W_in2f, Wf1, bf1, Wf2, bf2, W_out, b_out):
    # filter_network: Linear(16,128) -> ShiftedSoftplus -> Linear(128,128)
    h = ssp(f_ij @ Wf1.T + bf1)
    W = h @ Wf2.T + bf2
    # cutoff_network: CosineCutoff with cutoff=1.0 (r_ij sampled in [0,1))
    cutoff = 1.0
    C = 0.5 * (jnp.cos(r_ij * jnp.pi / cutoff) + 1.0) * (r_ij < cutoff).astype(jnp.float32)
    W = W * C[:, None]
    # in2f
    xf = x @ W_in2f.T
    size = xf.shape[0]
    # gather source nodes, modulate by filters
    msg = xf[ind_j] * W
    # global_add_pool == scatter-add into dst nodes
    agg = jax.ops.segment_sum(msg, ind_i, num_segments=size)
    # f2out: Linear + ShiftedSoftplus
    out = ssp(agg @ W_out.T + b_out)
    return out

if __name__ == "__main__":
    import jax
    _d = setup_inputs()
    print(jax.jit(kernel)(*tuple(_d.values())))

</pallas_src>

<mosaic_0001>
#map = affine_map<(d0, d1) -> (0, 0)>
#map1 = affine_map<(d0, d1) -> (0)>
#map2 = affine_map<(d0, d1) -> (0, 0, 0)>
module attributes {stable_mosaic.version = 14 : i64} {
  func.func @sc_agg(%arg0: i32, %arg1: i32, %arg2: memref<10000x128xf32, #tpu.memory_space<hbm>>, %arg3: memref<320000x128xf32, #tpu.memory_space<hbm>>, %arg4: memref<320000xf32, #tpu.memory_space<hbm>>, %arg5: memref<320000xi32, #tpu.memory_space<hbm>>, %arg6: memref<320000xi32, #tpu.memory_space<hbm>>, %arg7: memref<10240x128xf32, #tpu.memory_space<hbm>>, %arg8: memref<2x10240x128xf32, #tpu.memory_space<hbm>>, %arg9: memref<10240x128xf32, #tpu.memory_space<vmem_shared>>, %arg10: memref<80xi32, #tpu.memory_space<vmem>>, %arg11: memref<80xi32, #tpu.memory_space<vmem>>, %arg12: memref<80x128xf32, #tpu.memory_space<vmem>>, %arg13: memref<80x128xf32, #tpu.memory_space<vmem>>, %arg14: memref<80xf32, #tpu.memory_space<vmem>>, %arg15: memref<!tpu.dma_semaphore, #tpu.memory_space<semaphore_mem>>) attributes {dimension_semantics = [#tpu.dimension_semantics<core_parallel>, #tpu.dimension_semantics<subcore_parallel>], iteration_bounds = array<i64: 2, 16>, scalar_prefetch = 0 : i64, scratch_operands = 7 : i64, tpu.core_type = #tpu.core_type<sc_vector_subcore>, window_params = [{transform_indices = #map}, {transform_indices = #map}, {transform_indices = #map1}, {transform_indices = #map1}, {transform_indices = #map1}, {transform_indices = #map}, {transform_indices = #map2}]} {
    %mul3A = arith.constant 640 : i32
    %mul3A_0 = arith.muli %arg1, %mul3A : i32
    "tpu.region"() ({
      %run_scoped3A = tpu.sem_alloc : memref<!tpu.dma_semaphore, #tpu.memory_space<semaphore_mem>>
      %dma_start3A = arith.constant 0 : i32
      %dma_start3A_12 = tpu.memref_slice %arg9[%mul3A_0, %dma_start3A] : memref<10240x128xf32, #tpu.memory_space<vmem_shared>> -> memref<640x128xf32, #tpu.memory_space<vmem_shared>>
      %dma_start3A_13 = arith.constant 0 : i32
      %dma_start3A_14 = tpu.memref_slice %arg7[%mul3A_0, %dma_start3A_13] : memref<10240x128xf32, #tpu.memory_space<hbm>> -> memref<640x128xf32, #tpu.memory_space<hbm>>
      tpu.enqueue_dma source(%dma_start3A_14 : memref<640x128xf32, #tpu.memory_space<hbm>>) target(%dma_start3A_12 : memref<640x128xf32, #tpu.memory_space<vmem_shared>>) target_semaphore(%run_scoped3A : memref<!tpu.dma_semaphore, #tpu.memory_space<semaphore_mem>>)
      %dma_wait3A = arith.constant 0 : i32
      %dma_wait3A_15 = tpu.memref_slice %arg9[%mul3A_0, %dma_wait3A] : memref<10240x128xf32, #tpu.memory_space<vmem_shared>> -> memref<640x128xf32, #tpu.memory_space<vmem_shared>>
      %dma_wait3A_16 = arith.constant 0 : i32
      %dma_wait3A_17 = tpu.memref_slice %arg7[%mul3A_0, %dma_wait3A_16] : memref<10240x128xf32, #tpu.memory_space<hbm>> -> memref<640x128xf32, #tpu.memory_space<hbm>>
      tpu.wait_dma2 semaphore(%run_scoped3A : memref<!tpu.dma_semaphore, #tpu.memory_space<semaphore_mem>>) src(%dma_wait3A_17 : memref<640x128xf32, #tpu.memory_space<hbm>>) dst(%dma_wait3A_15 : memref<640x128xf32, #tpu.memory_space<vmem_shared>>)
      tpu.yield
    }) : () -> ()
    %barrier3A = arith.constant 0 : index
    tpu.barrier barrier_id(%barrier3A)
    %mul3A_1 = arith.constant 2 : i32
    %mul3A_2 = arith.muli %arg1, %mul3A_1 : i32
    %add3A = arith.addi %mul3A_2, %arg0 : i32
    %mul3A_3 = arith.constant 10000 : i32
    %mul3A_4 = arith.muli %add3A, %mul3A_3 : i32
    %scan3A = arith.constant 0 : i32
    %scan3A_5 = arith.constant 0 : i32
    %scan3A_6 = arith.constant 125 : i32
    %scan3A_7 = arith.addi %scan3A_5, %scan3A_6 : i32
    %scan3A_8 = arith.constant 1 : i32
    %scan3A_9 = scf.for %scan3A_12 = %scan3A_5 to %scan3A_7 step %scan3A_8 iter_args(%scan3A_13 = %scan3A) -> (i32)  : i32 {
      %mul3A_14 = arith.constant 80 : i32
      %mul3A_15 = arith.muli %scan3A_12, %mul3A_14 : i32
      %add3A_16 = arith.addi %mul3A_4, %mul3A_15 : i32
      "tpu.region"() ({
        %run_scoped3A = tpu.sem_alloc : memref<!tpu.dma_semaphore, #tpu.memory_space<semaphore_mem>>
        %dma_start3A_29 = tpu.memref_slice %arg6[%add3A_16] : memref<320000xi32, #tpu.memory_space<hbm>> -> memref<80xi32, #tpu.memory_space<hbm>>
        %dma_start3A_30 = tpu.memref_slice %arg6[%add3A_16] : memref<320000xi32, #tpu.memory_space<hbm>> -> memref<80xi32, #tpu.memory_space<hbm>>
        tpu.enqueue_dma source(%dma_start3A_30 : memref<80xi32, #tpu.memory_space<hbm>>) target(%arg10 : memref<80xi32, #tpu.memory_space<vmem>>) target_semaphore(%run_scoped3A : memref<!tpu.dma_semaphore, #tpu.memory_space<semaphore_mem>>)
        %dma_wait3A_31 = tpu.memref_slice %arg6[%add3A_16] : memref<320000xi32, #tpu.memory_space<hbm>> -> memref<80xi32, #tpu.memory_space<hbm>>
        %dma_wait3A_32 = tpu.memref_slice %arg6[%add3A_16] : memref<320000xi32, #tpu.memory_space<hbm>> -> memref<80xi32, #tpu.memory_space<hbm>>
        tpu.wait_dma2 semaphore(%run_scoped3A : memref<!tpu.dma_semaphore, #tpu.memory_space<semaphore_mem>>) src(%dma_wait3A_32 : memref<80xi32, #tpu.memory_space<hbm>>) dst(%arg10 : memref<80xi32, #tpu.memory_space<vmem>>)
        tpu.yield
      }) : () -> ()
      "tpu.region"() ({
        %run_scoped3A = tpu.sem_alloc : memref<!tpu.dma_semaphore, #tpu.memory_space<semaphore_mem>>
        %dma_start3A_29 = tpu.memref_slice %arg5[%add3A_16] : memref<320000xi32, #tpu.memory_space<hbm>> -> memref<80xi32, #tpu.memory_space<hbm>>
        %dma_start3A_30 = tpu.memref_slice %arg5[%add3A_16] : memref<320000xi32, #tpu.memory_space<hbm>> -> memref<80xi32, #tpu.memory_space<hbm>>
        tpu.enqueue_dma source(%dma_start3A_30 : memref<80xi32, #tpu.memory_space<hbm>>) target(%arg11 : memref<80xi32, #tpu.memory_space<vmem>>) target_semaphore(%run_scoped3A : memref<!tpu.dma_semaphore, #tpu.memory_space<semaphore_mem>>)
        %dma_wait3A_31 = tpu.memref_slice %arg5[%add3A_16] : memref<320000xi32, #tpu.memory_space<hbm>> -> memref<80xi32, #tpu.memory_space<hbm>>
        %dma_wait3A_32 = tpu.memref_slice %arg5[%add3A_16] : memref<320000xi32, #tpu.memory_space<hbm>> -> memref<80xi32, #tpu.memory_space<hbm>>
        tpu.wait_dma2 semaphore(%run_scoped3A : memref<!tpu.dma_semaphore, #tpu.memory_space<semaphore_mem>>) src(%dma_wait3A_32 : memref<80xi32, #tpu.memory_space<hbm>>) dst(%arg11 : memref<80xi32, #tpu.memory_space<vmem>>)
        tpu.yield
      }) : () -> ()
      "tpu.region"() ({
        %run_scoped3A = tpu.sem_alloc : memref<!tpu.dma_semaphore, #tpu.memory_space<semaphore_mem>>
        %dma_start3A_29 = tpu.memref_slice %arg4[%add3A_16] : memref<320000xf32, #tpu.memory_space<hbm>> -> memref<80xf32, #tpu.memory_space<hbm>>
        %dma_start3A_30 = tpu.memref_slice %arg4[%add3A_16] : memref<320000xf32, #tpu.memory_space<hbm>> -> memref<80xf32, #tpu.memory_space<hbm>>
        tpu.enqueue_dma source(%dma_start3A_30 : memref<80xf32, #tpu.memory_space<hbm>>) target(%arg14 : memref<80xf32, #tpu.memory_space<vmem>>) target_semaphore(%run_scoped3A : memref<!tpu.dma_semaphore, #tpu.memory_space<semaphore_mem>>)
        %dma_wait3A_31 = tpu.memref_slice %arg4[%add3A_16] : memref<320000xf32, #tpu.memory_space<hbm>> -> memref<80xf32, #tpu.memory_space<hbm>>
        %dma_wait3A_32 = tpu.memref_slice %arg4[%add3A_16] : memref<320000xf32, #tpu.memory_space<hbm>> -> memref<80xf32, #tpu.memory_space<hbm>>
        tpu.wait_dma2 semaphore(%run_scoped3A : memref<!tpu.dma_semaphore, #tpu.memory_space<semaphore_mem>>) src(%dma_wait3A_32 : memref<80xf32, #tpu.memory_space<hbm>>) dst(%arg14 : memref<80xf32, #tpu.memory_space<vmem>>)
        tpu.yield
      }) : () -> ()
      %dma_start3A = arith.constant 0 : i32
      %dma_start3A_17 = arith.constant 0 : i32
      %dma_start3A_18 = tpu.memref_slice %arg2[%dma_start3A, %dma_start3A_17] : memref<10000x128xf32, #tpu.memory_space<hbm>> -> memref<10000x128xf32, #tpu.memory_space<hbm>>
      tpu.enqueue_indirect_dma source(%dma_start3A_18 : memref<10000x128xf32, #tpu.memory_space<hbm>>) target(%arg12 : memref<80x128xf32, #tpu.memory_space<vmem>>) offsets(%arg10 : memref<80xi32, #tpu.memory_space<vmem>>) semaphore(%arg15 : memref<!tpu.dma_semaphore, #tpu.memory_space<semaphore_mem>>)
      %dma_wait3A = arith.constant 0 : i32
      %dma_wait3A_19 = arith.constant 0 : i32
      %dma_wait3A_20 = tpu.memref_slice %arg2[%dma_wait3A, %dma_wait3A_19] : memref<10000x128xf32, #tpu.memory_space<hbm>> -> memref<10000x128xf32, #tpu.memory_space<hbm>>
      tpu.wait_indirect_dma semaphore(%arg15 : memref<!tpu.dma_semaphore, #tpu.memory_space<semaphore_mem>>) src(%dma_wait3A_20 : memref<10000x128xf32, #tpu.memory_space<hbm>>) dst(%arg12 : memref<80x128xf32, #tpu.memory_space<vmem>>)
      "tpu.region"() ({
        %run_scoped3A = tpu.sem_alloc : memref<!tpu.dma_semaphore, #tpu.memory_space<semaphore_mem>>
        %dma_start3A_29 = arith.constant 0 : i32
        %dma_start3A_30 = tpu.memref_slice %arg3[%add3A_16, %dma_start3A_29] : memref<320000x128xf32, #tpu.memory_space<hbm>> -> memref<80x128xf32, #tpu.memory_space<hbm>>
        %dma_start3A_31 = arith.constant 0 : i32
        %dma_start3A_32 = tpu.memref_slice %arg3[%add3A_16, %dma_start3A_31] : memref<320000x128xf32, #tpu.memory_space<hbm>> -> memref<80x128xf32, #tpu.memory_space<hbm>>
        tpu.enqueue_dma source(%dma_start3A_32 : memref<80x128xf32, #tpu.memory_space<hbm>>) target(%arg13 : memref<80x128xf32, #tpu.memory_space<vmem>>) target_semaphore(%run_scoped3A : memref<!tpu.dma_semaphore, #tpu.memory_space<semaphore_mem>>)
        %dma_wait3A_33 = arith.constant 0 : i32
        %dma_wait3A_34 = tpu.memref_slice %arg3[%add3A_16, %dma_wait3A_33] : memref<320000x128xf32, #tpu.memory_space<hbm>> -> memref<80x128xf32, #tpu.memory_space<hbm>>
        %dma_wait3A_35 = arith.constant 0 : i32
        %dma_wait3A_36 = tpu.memref_slice %arg3[%add3A_16, %dma_wait3A_35] : memref<320000x128xf32, #tpu.memory_space<hbm>> -> memref<80x128xf32, #tpu.memory_space<hbm>>
        tpu.wait_dma2 semaphore(%run_scoped3A : memref<!tpu.dma_semaphore, #tpu.memory_space<semaphore_mem>>) src(%dma_wait3A_36 : memref<80x128xf32, #tpu.memory_space<hbm>>) dst(%arg13 : memref<80x128xf32, #tpu.memory_space<vmem>>)
        tpu.yield
      }) : () -> ()
      %scan3A_21 = arith.constant 0 : i32
      %scan3A_22 = arith.constant 0 : i32
      %scan3A_23 = arith.constant 80 : i32
      %scan3A_24 = arith.addi %scan3A_22, %scan3A_23 : i32
      %scan3A_25 = arith.constant 4 : i32
      %scan3A_26 = scf.for %scan3A_29 = %scan3A_22 to %scan3A_24 step %scan3A_25 iter_args(%scan3A_30 = %scan3A_21) -> (i32)  : i32 {
        %broadcast_in_dim3A = vector.broadcast %scan3A_29 : i32 to vector<16xi32>
        %gather3A = tpu.vector_load_idx %arg14[%broadcast_in_dim3A] : memref<80xf32, #tpu.memory_space<vmem>>[vector<16xi32>], vector<16xf32>,
        %get3A = arith.index_cast %scan3A_29 : i32 to index
        %get3A_31 = arith.constant 0 : index
        %get3A_32 = tpu.vector_load %arg12[%get3A, %get3A_31] {strides = array<i32>} : memref<80x128xf32, #tpu.memory_space<vmem>>, vector<16xf32>,
        %get3A_33 = arith.index_cast %scan3A_29 : i32 to index
        %get3A_34 = arith.constant 0 : index
        %get3A_35 = tpu.vector_load %arg13[%get3A_33, %get3A_34] {strides = array<i32>} : memref<80x128xf32, #tpu.memory_space<vmem>>, vector<16xf32>,
        %mul3A_36 = arith.mulf %get3A_32, %get3A_35 : vector<16xf32>
        %mul3A_37 = arith.mulf %mul3A_36, %gather3A : vector<16xf32>
        %swap3A = arith.index_cast %scan3A_29 : i32 to index
        %swap3A_38 = arith.constant 0 : index
        %swap3A_39 = tpu.vector_load %arg12[%swap3A, %swap3A_38] {strides = array<i32>} : memref<80x128xf32, #tpu.memory_space<vmem>>, vector<16xf32>,
        tpu.vector_store %arg12[%swap3A, %swap3A_38], %mul3A_37 {strides = array<i32>} : memref<80x128xf32, #tpu.memory_space<vmem>>, vector<16xf32>,
        %get3A_40 = arith.index_cast %scan3A_29 : i32 to index
        %get3A_41 = arith.constant 16 : index
        %get3A_42 = tpu.vector_load %arg12[%get3A_40, %get3A_41] {strides = array<i32>} : memref<80x128xf32, #tpu.memory_space<vmem>>, vector<16xf32>,
        %get3A_43 = arith.index_cast %scan3A_29 : i32 to index
        %get3A_44 = arith.constant 16 : index
        %get3A_45 = tpu.vector_load %arg13[%get3A_43, %get3A_44] {strides = array<i32>} : memref<80x128xf32, #tpu.memory_space<vmem>>, vector<16xf32>,
        %mul3A_46 = arith.mulf %get3A_42, %get3A_45 : vector<16xf32>
        %mul3A_47 = arith.mulf %mul3A_46, %gather3A : vector<16xf32>
        %swap3A_48 = arith.index_cast %scan3A_29 : i32 to index
        %swap3A_49 = arith.constant 16 : index
        %swap3A_50 = tpu.vector_load %arg12[%swap3A_48, %swap3A_49] {strides = array<i32>} : memref<80x128xf32, #tpu.memory_space<vmem>>, vector<16xf32>,
        tpu.vector_store %arg12[%swap3A_48, %swap3A_49], %mul3A_47 {strides = array<i32>} : memref<80x128xf32, #tpu.memory_space<vmem>>, vector<16xf32>,
        %get3A_51 = arith.index_cast %scan3A_29 : i32 to index
        %get3A_52 = arith.constant 32 : index
        %get3A_53 = tpu.vector_load %arg12[%get3A_51, %get3A_52] {strides = array<i32>} : memref<80x128xf32, #tpu.memory_space<vmem>>, vector<16xf32>,
        %get3A_54 = arith.index_cast %scan3A_29 : i32 to index
        %get3A_55 = arith.constant 32 : index
        %get3A_56 = tpu.vector_load %arg13[%get3A_54, %get3A_55] {strides = array<i32>} : memref<80x128xf32, #tpu.memory_space<vmem>>, vector<16xf32>,
        %mul3A_57 = arith.mulf %get3A_53, %get3A_56 : vector<16xf32>
        %mul3A_58 = arith.mulf %mul3A_57, %gather3A : vector<16xf32>
        %swap3A_59 = arith.index_cast %scan3A_29 : i32 to index
        %swap3A_60 = arith.constant 32 : index
        %swap3A_61 = tpu.vector_load %arg12[%swap3A_59, %swap3A_60] {strides = array<i32>} : memref<80x128xf32, #tpu.memory_space<vmem>>, vector<16xf32>,
        tpu.vector_store %arg12[%swap3A_59, %swap3A_60], %mul3A_58 {strides = array<i32>} : memref<80x128xf32, #tpu.memory_space<vmem>>, vector<16xf32>,
        %get3A_62 = arith.index_cast %scan3A_29 : i32 to index
        %get3A_63 = arith.constant 48 : index
        %get3A_64 = tpu.vector_load %arg12[%get3A_62, %get3A_63] {strides = array<i32>} : memref<80x128xf32, #tpu.memory_space<vmem>>, vector<16xf32>,
        %get3A_65 = arith.index_cast %scan3A_29 : i32 to index
        %get3A_66 = arith.constant 48 : index
        %get3A_67 = tpu.vector_load %arg13[%get3A_65, %get3A_66] {strides = array<i32>} : memref<80x128xf32, #tpu.memory_space<vmem>>, vector<16xf32>,
        %mul3A_68 = arith.mulf %get3A_64, %get3A_67 : vector<16xf32>
        %mul3A_69 = arith.mulf %mul3A_68, %gather3A : vector<16xf32>
        %swap3A_70 = arith.index_cast %scan3A_29 : i32 to index
        %swap3A_71 = arith.constant 48 : index
        %swap3A_72 = tpu.vector_load %arg12[%swap3A_70, %swap3A_71] {strides = array<i32>} : memref<80x128xf32, #tpu.memory_space<vmem>>, vector<16xf32>,
        tpu.vector_store %arg12[%swap3A_70, %swap3A_71], %mul3A_69 {strides = array<i32>} : memref<80x128xf32, #tpu.memory_space<vmem>>, vector<16xf32>,
        %get3A_73 = arith.index_cast %scan3A_29 : i32 to index
        %get3A_74 = arith.constant 64 : index
        %get3A_75 = tpu.vector_load %arg12[%get3A_73, %get3A_74] {strides = array<i32>} : memref<80x128xf32, #tpu.memory_space<vmem>>, vector<16xf32>,
        %get3A_76 = arith.index_cast %scan3A_29 : i32 to index
        %get3A_77 = arith.constant 64 : index
        %get3A_78 = tpu.vector_load %arg13[%get3A_76, %get3A_77] {strides = array<i32>} : memref<80x128xf32, #tpu.memory_space<vmem>>, vector<16xf32>,
        %mul3A_79 = arith.mulf %get3A_75, %get3A_78 : vector<16xf32>
        %mul3A_80 = arith.mulf %mul3A_79, %gather3A : vector<16xf32>
        %swap3A_81 = arith.index_cast %scan3A_29 : i32 to index
        %swap3A_82 = arith.constant 64 : index
        %swap3A_83 = tpu.vector_load %arg12[%swap3A_81, %swap3A_82] {strides = array<i32>} : memref<80x128xf32, #tpu.memory_space<vmem>>, vector<16xf32>,
        tpu.vector_store %arg12[%swap3A_81, %swap3A_82], %mul3A_80 {strides = array<i32>} : memref<80x128xf32, #tpu.memory_space<vmem>>, vector<16xf32>,
        %get3A_84 = arith.index_cast %scan3A_29 : i32 to index
        %get3A_85 = arith.constant 80 : index
        %get3A_86 = tpu.vector_load %arg12[%get3A_84, %get3A_85] {strides = array<i32>} : memref<80x128xf32, #tpu.memory_space<vmem>>, vector<16xf32>,
        %get3A_87 = arith.index_cast %scan3A_29 : i32 to index
        %get3A_88 = arith.constant 80 : index
        %get3A_89 = tpu.vector_load %arg13[%get3A_87, %get3A_88] {strides = array<i32>} : memref<80x128xf32, #tpu.memory_space<vmem>>, vector<16xf32>,
        %mul3A_90 = arith.mulf %get3A_86, %get3A_89 : vector<16xf32>
        %mul3A_91 = arith.mulf %mul3A_90, %gather3A : vector<16xf32>
        %swap3A_92 = arith.index_cast %scan3A_29 : i32 to index
        %swap3A_93 = arith.constant 80 : index
        %swap3A_94 = tpu.vector_load %arg12[%swap3A_92, %swap3A_93] {strides = array<i32>} : memref<80x128xf32, #tpu.memory_space<vmem>>, vector<16xf32>,
        tpu.vector_store %arg12[%swap3A_92, %swap3A_93], %mul3A_91 {strides = array<i32>} : memref<80x128xf32, #tpu.memory_space<vmem>>, vector<16xf32>,
        %get3A_95 = arith.index_cast %scan3A_29 : i32 to index
        %get3A_96 = arith.constant 96 : index
        %get3A_97 = tpu.vector_load %arg12[%get3A_95, %get3A_96] {strides = array<i32>} : memref<80x128xf32, #tpu.memory_space<vmem>>, vector<16xf32>,
        %get3A_98 = arith.index_cast %scan3A_29 : i32 to index
        %get3A_99 = arith.constant 96 : index
        %get3A_100 = tpu.vector_load %arg13[%get3A_98, %get3A_99] {strides = array<i32>} : memref<80x128xf32, #tpu.memory_space<vmem>>, vector<16xf32>,
        %mul3A_101 = arith.mulf %get3A_97, %get3A_100 : vector<16xf32>
        %mul3A_102 = arith.mulf %mul3A_101, %gather3A : vector<16xf32>
        %swap3A_103 = arith.index_cast %scan3A_29 : i32 to index
        %swap3A_104 = arith.constant 96 : index
        %swap3A_105 = tpu.vector_load %arg12[%swap3A_103, %swap3A_104] {strides = array<i32>} : memref<80x128xf32, #tpu.memory_space<vmem>>, vector<16xf32>,
        tpu.vector_store %arg12[%swap3A_103, %swap3A_104], %mul3A_102 {strides = array<i32>} : memref<80x128xf32, #tpu.memory_space<vmem>>, vector<16xf32>,
        %get3A_106 = arith.index_cast %scan3A_29 : i32 to index
        %get3A_107 = arith.constant 112 : index
        %get3A_108 = tpu.vector_load %arg12[%get3A_106, %get3A_107] {strides = array<i32>} : memref<80x128xf32, #tpu.memory_space<vmem>>, vector<16xf32>,
        %get3A_109 = arith.index_cast %scan3A_29 : i32 to index
        %get3A_110 = arith.constant 112 : index
        %get3A_111 = tpu.vector_load %arg13[%get3A_109, %get3A_110] {strides = array<i32>} : memref<80x128xf32, #tpu.memory_space<vmem>>, vector<16xf32>,
        %mul3A_112 = arith.mulf %get3A_108, %get3A_111 : vector<16xf32>
        %mul3A_113 = arith.mulf %mul3A_112, %gather3A : vector<16xf32>
        %swap3A_114 = arith.index_cast %scan3A_29 : i32 to index
        %swap3A_115 = arith.constant 112 : index
        %swap3A_116 = tpu.vector_load %arg12[%swap3A_114, %swap3A_115] {strides = array<i32>} : memref<80x128xf32, #tpu.memory_space<vmem>>, vector<16xf32>,
        tpu.vector_store %arg12[%swap3A_114, %swap3A_115], %mul3A_113 {strides = array<i32>} : memref<80x128xf32, #tpu.memory_space<vmem>>, vector<16xf32>,
        %scan3A_117 = arith.constant 0 : i32
        %scan3A_118 = arith.constant 1 : i32
        %scan3A_119 = arith.addi %scan3A_29, %scan3A_118 : i32
        %broadcast_in_dim3A_120 = vector.broadcast %scan3A_119 : i32 to vector<16xi32>
        %gather3A_121 = tpu.vector_load_idx %arg14[%broadcast_in_dim3A_120] : memref<80xf32, #tpu.memory_space<vmem>>[vector<16xi32>], vector<16xf32>,
        %get3A_122 = arith.index_cast %scan3A_119 : i32 to index
        %get3A_123 = arith.constant 0 : index
        %get3A_124 = tpu.vector_load %arg12[%get3A_122, %get3A_123] {strides = array<i32>} : memref<80x128xf32, #tpu.memory_space<vmem>>, vector<16xf32>,
        %get3A_125 = arith.index_cast %scan3A_119 : i32 to index
        %get3A_126 = arith.constant 0 : index
        %get3A_127 = tpu.vector_load %arg13[%get3A_125, %get3A_126] {strides = array<i32>} : memref<80x128xf32, #tpu.memory_space<vmem>>, vector<16xf32>,
        %mul3A_128 = arith.mulf %get3A_124, %get3A_127 : vector<16xf32>
        %mul3A_129 = arith.mulf %mul3A_128, %gather3A_121 : vector<16xf32>
        %swap3A_130 = arith.index_cast %scan3A_119 : i32 to index
        %swap3A_131 = arith.constant 0 : index
        %swap3A_132 = tpu.vector_load %arg12[%swap3A_130, %swap3A_131] {strides = array<i32>} : memref<80x128xf32, #tpu.memory_space<vmem>>, vector<16xf32>,
        tpu.vector_store %arg12[%swap3A_130, %swap3A_131], %mul3A_129 {strides = array<i32>} : memref<80x128xf32, #tpu.memory_space<vmem>>, vector<16xf32>,
        %get3A_133 = arith.index_cast %scan3A_119 : i32 to index
        %get3A_134 = arith.constant 16 : index
        %get3A_135 = tpu.vector_load %arg12[%get3A_133, %get3A_134] {strides = array<i32>} : memref<80x128xf32, #tpu.memory_space<vmem>>, vector<16xf32>,
        %get3A_136 = arith.index_cast %scan3A_119 : i32 to index
        %get3A_137 = arith.constant 16 : index
        %get3A_138 = tpu.vector_load %arg13[%get3A_136, %get3A_137] {strides = array<i32>} : memref<80x128xf32, #tpu.memory_space<vmem>>, vector<16xf32>,
        %mul3A_139 = arith.mulf %get3A_135, %get3A_138 : vector<16xf32>
        %mul3A_140 = arith.mulf %mul3A_139, %gather3A_121 : vector<16xf32>
        %swap3A_141 = arith.index_cast %scan3A_119 : i32 to index
        %swap3A_142 = arith.constant 16 : index
        %swap3A_143 = tpu.vector_load %arg12[%swap3A_141, %swap3A_142] {strides = array<i32>} : memref<80x128xf32, #tpu.memory_space<vmem>>, vector<16xf32>,
        tpu.vector_store %arg12[%swap3A_141, %swap3A_142], %mul3A_140 {strides = array<i32>} : memref<80x128xf32, #tpu.memory_space<vmem>>, vector<16xf32>,
        %get3A_144 = arith.index_cast %scan3A_119 : i32 to index
        %get3A_145 = arith.constant 32 : index
        %get3A_146 = tpu.vector_load %arg12[%get3A_144, %get3A_145] {strides = array<i32>} : memref<80x128xf32, #tpu.memory_space<vmem>>, vector<16xf32>,
        %get3A_147 = arith.index_cast %scan3A_119 : i32 to index
        %get3A_148 = arith.constant 32 : index
        %get3A_149 = tpu.vector_load %arg13[%get3A_147, %get3A_148] {strides = array<i32>} : memref<80x128xf32, #tpu.memory_space<vmem>>, vector<16xf32>,
        %mul3A_150 = arith.mulf %get3A_146, %get3A_149 : vector<16xf32>
        %mul3A_151 = arith.mulf %mul3A_150, %gather3A_121 : vector<16xf32>
        %swap3A_152 = arith.index_cast %scan3A_119 : i32 to index
        %swap3A_153 = arith.constant 32 : index
        %swap3A_154 = tpu.vector_load %arg12[%swap3A_152, %swap3A_153] {strides = array<i32>} : memref<80x128xf32, #tpu.memory_space<vmem>>, vector<16xf32>,
        tpu.vector_store %arg12[%swap3A_152, %swap3A_153], %mul3A_151 {strides = array<i32>} : memref<80x128xf32, #tpu.memory_space<vmem>>, vector<16xf32>,
        %get3A_155 = arith.index_cast %scan3A_119 : i32 to index
        %get3A_156 = arith.constant 48 : index
        %get3A_157 = tpu.vector_load %arg12[%get3A_155, %get3A_156] {strides = array<i32>} : memref<80x128xf32, #tpu.memory_space<vmem>>, vector<16xf32>,
        %get3A_158 = arith.index_cast %scan3A_119 : i32 to index
        %get3A_159 = arith.constant 48 : index
        %get3A_160 = tpu.vector_load %arg13[%get3A_158, %get3A_159] {strides = array<i32>} : memref<80x128xf32, #tpu.memory_space<vmem>>, vector<16xf32>,
        %mul3A_161 = arith.mulf %get3A_157, %get3A_160 : vector<16xf32>
        %mul3A_162 = arith.mulf %mul3A_161, %gather3A_121 : vector<16xf32>
        %swap3A_163 = arith.index_cast %scan3A_119 : i32 to index
        %swap3A_164 = arith.constant 48 : index
        %swap3A_165 = tpu.vector_load %arg12[%swap3A_163, %swap3A_164] {strides = array<i32>} : memref<80x128xf32, #tpu.memory_space<vmem>>, vector<16xf32>,
        tpu.vector_store %arg12[%swap3A_163, %swap3A_164], %mul3A_162 {strides = array<i32>} : memref<80x128xf32, #tpu.memory_space<vmem>>, vector<16xf32>,
        %get3A_166 = arith.index_cast %scan3A_119 : i32 to index
        %get3A_167 = arith.constant 64 : index
        %get3A_168 = tpu.vector_load %arg12[%get3A_166, %get3A_167] {strides = array<i32>} : memref<80x128xf32, #tpu.memory_space<vmem>>, vector<16xf32>,
        %get3A_169 = arith.index_cast %scan3A_119 : i32 to index
        %get3A_170 = arith.constant 64 : index
        %get3A_171 = tpu.vector_load %arg13[%get3A_169, %get3A_170] {strides = array<i32>} : memref<80x128xf32, #tpu.memory_space<vmem>>, vector<16xf32>,
        %mul3A_172 = arith.mulf %get3A_168, %get3A_171 : vector<16xf32>
        %mul3A_173 = arith.mulf %mul3A_172, %gather3A_121 : vector<16xf32>
        %swap3A_174 = arith.index_cast %scan3A_119 : i32 to index
        %swap3A_175 = arith.constant 64 : index
        %swap3A_176 = tpu.vector_load %arg12[%swap3A_174, %swap3A_175] {strides = array<i32>} : memref<80x128xf32, #tpu.memory_space<vmem>>, vector<16xf32>,
        tpu.vector_store %arg12[%swap3A_174, %swap3A_175], %mul3A_173 {strides = array<i32>} : memref<80x128xf32, #tpu.memory_space<vmem>>, vector<16xf32>,
        %get3A_177 = arith.index_cast %scan3A_119 : i32 to index
        %get3A_178 = arith.constant 80 : index
        %get3A_179 = tpu.vector_load %arg12[%get3A_177, %get3A_178] {strides = array<i32>} : memref<80x128xf32, #tpu.memory_space<vmem>>, vector<16xf32>,
        %get3A_180 = arith.index_cast %scan3A_119 : i32 to index
        %get3A_181 = arith.constant 80 : index
        %get3A_182 = tpu.vector_load %arg13[%get3A_180, %get3A_181] {strides = array<i32>} : memref<80x128xf32, #tpu.memory_space<vmem>>, vector<16xf32>,
        %mul3A_183 = arith.mulf %get3A_179, %get3A_182 : vector<16xf32>
        %mul3A_184 = arith.mulf %mul3A_183, %gather3A_121 : vector<16xf32>
        %swap3A_185 = arith.index_cast %scan3A_119 : i32 to index
        %swap3A_186 = arith.constant 80 : index
        %swap3A_187 = tpu.vector_load %arg12[%swap3A_185, %swap3A_186] {strides = array<i32>} : memref<80x128xf32, #tpu.memory_space<vmem>>, vector<16xf32>,
        tpu.vector_store %arg12[%swap3A_185, %swap3A_186], %mul3A_184 {strides = array<i32>} : memref<80x128xf32, #tpu.memory_space<vmem>>, vector<16xf32>,
        %get3A_188 = arith.index_cast %scan3A_119 : i32 to index
        %get3A_189 = arith.constant 96 : index
        %get3A_190 = tpu.vector_load %arg12[%get3A_188, %get3A_189] {strides = array<i32>} : memref<80x128xf32, #tpu.memory_space<vmem>>, vector<16xf32>,
        %get3A_191 = arith.index_cast %scan3A_119 : i32 to index
        %get3A_192 = arith.constant 96 : index
        %get3A_193 = tpu.vector_load %arg13[%get3A_191, %get3A_192] {strides = array<i32>} : memref<80x128xf32, #tpu.memory_space<vmem>>, vector<16xf32>,
        %mul3A_194 = arith.mulf %get3A_190, %get3A_193 : vector<16xf32>
        %mul3A_195 = arith.mulf %mul3A_194, %gather3A_121 : vector<16xf32>
        %swap3A_196 = arith.index_cast %scan3A_119 : i32 to index
        %swap3A_197 = arith.constant 96 : index
        %swap3A_198 = tpu.vector_load %arg12[%swap3A_196, %swap3A_197] {strides = array<i32>} : memref<80x128xf32, #tpu.memory_space<vmem>>, vector<16xf32>,
        tpu.vector_store %arg12[%swap3A_196, %swap3A_197], %mul3A_195 {strides = array<i32>} : memref<80x128xf32, #tpu.memory_space<vmem>>, vector<16xf32>,
        %get3A_199 = arith.index_cast %scan3A_119 : i32 to index
        %get3A_200 = arith.constant 112 : index
        %get3A_201 = tpu.vector_load %arg12[%get3A_199, %get3A_200] {strides = array<i32>} : memref<80x128xf32, #tpu.memory_space<vmem>>, vector<16xf32>,
        %get3A_202 = arith.index_cast %scan3A_119 : i32 to index
        %get3A_203 = arith.constant 112 : index
        %get3A_204 = tpu.vector_load %arg13[%get3A_202, %get3A_203] {strides = array<i32>} : memref<80x128xf32, #tpu.memory_space<vmem>>, vector<16xf32>,
        %mul3A_205 = arith.mulf %get3A_201, %get3A_204 : vector<16xf32>
        %mul3A_206 = arith.mulf %mul3A_205, %gather3A_121 : vector<16xf32>
        %swap3A_207 = arith.index_cast %scan3A_119 : i32 to index
        %swap3A_208 = arith.constant 112 : index
        %swap3A_209 = tpu.vector_load %arg12[%swap3A_207, %swap3A_208] {strides = array<i32>} : memref<80x128xf32, #tpu.memory_space<vmem>>, vector<16xf32>,
        tpu.vector_store %arg12[%swap3A_207, %swap3A_208], %mul3A_206 {strides = array<i32>} : memref<80x128xf32, #tpu.memory_space<vmem>>, vector<16xf32>,
        %scan3A_210 = arith.constant 0 : i32
        %scan3A_211 = arith.constant 2 : i32
        %scan3A_212 = arith.addi %scan3A_29, %scan3A_211 : i32
        %broadcast_in_dim3A_213 = vector.broadcast %scan3A_212 : i32 to vector<16xi32>
        %gather3A_214 = tpu.vector_load_idx %arg14[%broadcast_in_dim3A_213] : memref<80xf32, #tpu.memory_space<vmem>>[vector<16xi32>], vector<16xf32>,
        %get3A_215 = arith.index_cast %scan3A_212 : i32 to index
        %get3A_216 = arith.constant 0 : index
        %get3A_217 = tpu.vector_load %arg12[%get3A_215, %get3A_216] {strides = array<i32>} : memref<80x128xf32, #tpu.memory_space<vmem>>, vector<16xf32>,
        %get3A_218 = arith.index_cast %scan3A_212 : i32 to index
        %get3A_219 = arith.constant 0 : index
        %get3A_220 = tpu.vector_load %arg13[%get3A_218, %get3A_219] {strides = array<i32>} : memref<80x128xf32, #tpu.memory_space<vmem>>, vector<16xf32>,
        %mul3A_221 = arith.mulf %get3A_217, %get3A_220 : vector<16xf32>
        %mul3A_222 = arith.mulf %mul3A_221, %gather3A_214 : vector<16xf32>
        %swap3A_223 = arith.index_cast %scan3A_212 : i32 to index
        %swap3A_224 = arith.constant 0 : index
        %swap3A_225 = tpu.vector_load %arg12[%swap3A_223, %swap3A_224] {strides = array<i32>} : memref<80x128xf32, #tpu.memory_space<vmem>>, vector<16xf32>,
        tpu.vector_store %arg12[%swap3A_223, %swap3A_224], %mul3A_222 {strides = array<i32>} : memref<80x128xf32, #tpu.memory_space<vmem>>, vector<16xf32>,
        %get3A_226 = arith.index_cast %scan3A_212 : i32 to index
        %get3A_227 = arith.constant 16 : index
        %get3A_228 = tpu.vector_load %arg12[%get3A_226, %get3A_227] {strides = array<i32>} : memref<80x128xf32, #tpu.memory_space<vmem>>, vector<16xf32>,
        %get3A_229 = arith.index_cast %scan3A_212 : i32 to index
        %get3A_230 = arith.constant 16 : index
        %get3A_231 = tpu.vector_load %arg13[%get3A_229, %get3A_230] {strides = array<i32>} : memref<80x128xf32, #tpu.memory_space<vmem>>, vector<16xf32>,
        %mul3A_232 = arith.mulf %get3A_228, %get3A_231 : vector<16xf32>
        %mul3A_233 = arith.mulf %mul3A_232, %gather3A_214 : vector<16xf32>
        %swap3A_234 = arith.index_cast %scan3A_212 : i32 to index
        %swap3A_235 = arith.constant 16 : index
        %swap3A_236 = tpu.vector_load %arg12[%swap3A_234, %swap3A_235] {strides = array<i32>} : memref<80x128xf32, #tpu.memory_space<vmem>>, vector<16xf32>,
        tpu.vector_store %arg12[%swap3A_234, %swap3A_235], %mul3A_233 {strides = array<i32>} : memref<80x128xf32, #tpu.memory_space<vmem>>, vector<16xf32>,
        %get3A_237 = arith.index_cast %scan3A_212 : i32 to index
        %get3A_238 = arith.constant 32 : index
        %get3A_239 = tpu.vector_load %arg12[%get3A_237, %get3A_238] {strides = array<i32>} : memref<80x128xf32, #tpu.memory_space<vmem>>, vector<16xf32>,
        %get3A_240 = arith.index_cast %scan3A_212 : i32 to index
        %get3A_241 = arith.constant 32 : index
        %get3A_242 = tpu.vector_load %arg13[%get3A_240, %get3A_241] {strides = array<i32>} : memref<80x128xf32, #tpu.memory_space<vmem>>, vector<16xf32>,
        %mul3A_243 = arith.mulf %get3A_239, %get3A_242 : vector<16xf32>
        %mul3A_244 = arith.mulf %mul3A_243, %gather3A_214 : vector<16xf32>
        %swap3A_245 = arith.index_cast %scan3A_212 : i32 to index
        %swap3A_246 = arith.constant 32 : index
        %swap3A_247 = tpu.vector_load %arg12[%swap3A_245, %swap3A_246] {strides = array<i32>} : memref<80x128xf32, #tpu.memory_space<vmem>>, vector<16xf32>,
        tpu.vector_store %arg12[%swap3A_245, %swap3A_246], %mul3A_244 {strides = array<i32>} : memref<80x128xf32, #tpu.memory_space<vmem>>, vector<16xf32>,
        %get3A_248 = arith.index_cast %scan3A_212 : i32 to index
        %get3A_249 = arith.constant 48 : index
        %get3A_250 = tpu.vector_load %arg12[%get3A_248, %get3A_249] {strides = array<i32>} : memref<80x128xf32, #tpu.memory_space<vmem>>, vector<16xf32>,
        %get3A_251 = arith.index_cast %scan3A_212 : i32 to index
        %get3A_252 = arith.constant 48 : index
        %get3A_253 = tpu.vector_load %arg13[%get3A_251, %get3A_252] {strides = array<i32>} : memref<80x128xf32, #tpu.memory_space<vmem>>, vector<16xf32>,
        %mul3A_254 = arith.mulf %get3A_250, %get3A_253 : vector<16xf32>
        %mul3A_255 = arith.mulf %mul3A_254, %gather3A_214 : vector<16xf32>
        %swap3A_256 = arith.index_cast %scan3A_212 : i32 to index
        %swap3A_257 = arith.constant 48 : index
        %swap3A_258 = tpu.vector_load %arg12[%swap3A_256, %swap3A_257] {strides = array<i32>} : memref<80x128xf32, #tpu.memory_space<vmem>>, vector<16xf32>,
        tpu.vector_store %arg12[%swap3A_256, %swap3A_257], %mul3A_255 {strides = array<i32>} : memref<80x128xf32, #tpu.memory_space<vmem>>, vector<16xf32>,
        %get3A_259 = arith.index_cast %scan3A_212 : i32 to index
        %get3A_260 = arith.constant 64 : index
        %get3A_261 = tpu.vector_load %arg12[%get3A_259, %get3A_260] {strides = array<i32>} : memref<80x128xf32, #tpu.memory_space<vmem>>, vector<16xf32>,
        %get3A_262 = arith.index_cast %scan3A_212 : i32 to index
        %get3A_263 = arith.constant 64 : index
        %get3A_264 = tpu.vector_load %arg13[%get3A_262, %get3A_263] {strides = array<i32>} : memref<80x128xf32, #tpu.memory_space<vmem>>, vector<16xf32>,
        %mul3A_265 = arith.mulf %get3A_261, %get3A_264 : vector<16xf32>
        %mul3A_266 = arith.mulf %mul3A_265, %gather3A_214 : vector<16xf32>
        %swap3A_267 = arith.index_cast %scan3A_212 : i32 to index
        %swap3A_268 = arith.constant 64 : index
        %swap3A_269 = tpu.vector_load %arg12[%swap3A_267, %swap3A_268] {strides = array<i32>} : memref<80x128xf32, #tpu.memory_space<vmem>>, vector<16xf32>,
        tpu.vector_store %arg12[%swap3A_267, %swap3A_268], %mul3A_266 {strides = array<i32>} : memref<80x128xf32, #tpu.memory_space<vmem>>, vector<16xf32>,
        %get3A_270 = arith.index_cast %scan3A_212 : i32 to index
        %get3A_271 = arith.constant 80 : index
        %get3A_272 = tpu.vector_load %arg12[%get3A_270, %get3A_271] {strides = array<i32>} : memref<80x128xf32, #tpu.memory_space<vmem>>, vector<16xf32>,
        %get3A_273 = arith.index_cast %scan3A_212 : i32 to index
        %get3A_274 = arith.constant 80 : index
        %get3A_275 = tpu.vector_load %arg13[%get3A_273, %get3A_274] {strides = array<i32>} : memref<80x128xf32, #tpu.memory_space<vmem>>, vector<16xf32>,
        %mul3A_276 = arith.mulf %get3A_272, %get3A_275 : vector<16xf32>
        %mul3A_277 = arith.mulf %mul3A_276, %gather3A_214 : vector<16xf32>
        %swap3A_278 = arith.index_cast %scan3A_212 : i32 to index
        %swap3A_279 = arith.constant 80 : index
        %swap3A_280 = tpu.vector_load %arg12[%swap3A_278, %swap3A_279] {strides = array<i32>} : memref<80x128xf32, #tpu.memory_space<vmem>>, vector<16xf32>,
        tpu.vector_store %arg12[%swap3A_278, %swap3A_279], %mul3A_277 {strides = array<i32>} : memref<80x128xf32, #tpu.memory_space<vmem>>, vector<16xf32>,
        %get3A_281 = arith.index_cast %scan3A_212 : i32 to index
        %get3A_282 = arith.constant 96 : index
        %get3A_283 = tpu.vector_load %arg12[%get3A_281, %get3A_282] {strides = array<i32>} : memref<80x128xf32, #tpu.memory_space<vmem>>, vector<16xf32>,
        %get3A_284 = arith.index_cast %scan3A_212 : i32 to index
        %get3A_285 = arith.constant 96 : index
        %get3A_286 = tpu.vector_load %arg13[%get3A_284, %get3A_285] {strides = array<i32>} : memref<80x128xf32, #tpu.memory_space<vmem>>, vector<16xf32>,
        %mul3A_287 = arith.mulf %get3A_283, %get3A_286 : vector<16xf32>
        %mul3A_288 = arith.mulf %mul3A_287, %gather3A_214 : vector<16xf32>
        %swap3A_289 = arith.index_cast %scan3A_212 : i32 to index
        %swap3A_290 = arith.constant 96 : index
        %swap3A_291 = tpu.vector_load %arg12[%swap3A_289, %swap3A_290] {strides = array<i32>} : memref<80x128xf32, #tpu.memory_space<vmem>>, vector<16xf32>,
        tpu.vector_store %arg12[%swap3A_289, %swap3A_290], %mul3A_288 {strides = array<i32>} : memref<80x128xf32, #tpu.memory_space<vmem>>, vector<16xf32>,
        %get3A_292 = arith.index_cast %scan3A_212 : i32 to index
        %get3A_293 = arith.constant 112 : index
        %get3A_294 = tpu.vector_load %arg12[%get3A_292, %get3A_293] {strides = array<i32>} : memref<80x128xf32, #tpu.memory_space<vmem>>, vector<16xf32>,
        %get3A_295 = arith.index_cast %scan3A_212 : i32 to index
        %get3A_296 = arith.constant 112 : index
        %get3A_297 = tpu.vector_load %arg13[%get3A_295, %get3A_296] {strides = array<i32>} : memref<80x128xf32, #tpu.memory_space<vmem>>, vector<16xf32>,
        %mul3A_298 = arith.mulf %get3A_294, %get3A_297 : vector<16xf32>
        %mul3A_299 = arith.mulf %mul3A_298, %gather3A_214 : vector<16xf32>
        %swap3A_300 = arith.index_cast %scan3A_212 : i32 to index
        %swap3A_301 = arith.constant 112 : index
        %swap3A_302 = tpu.vector_load %arg12[%swap3A_300, %swap3A_301] {strides = array<i32>} : memref<80x128xf32, #tpu.memory_space<vmem>>, vector<16xf32>,
        tpu.vector_store %arg12[%swap3A_300, %swap3A_301], %mul3A_299 {strides = array<i32>} : memref<80x128xf32, #tpu.memory_space<vmem>>, vector<16xf32>,
        %scan3A_303 = arith.constant 0 : i32
        %scan3A_304 = arith.constant 3 : i32
        %scan3A_305 = arith.addi %scan3A_29, %scan3A_304 : i32
        %broadcast_in_dim3A_306 = vector.broadcast %scan3A_305 : i32 to vector<16xi32>
        %gather3A_307 = tpu.vector_load_idx %arg14[%broadcast_in_dim3A_306] : memref<80xf32, #tpu.memory_space<vmem>>[vector<16xi32>], vector<16xf32>,
        %get3A_308 = arith.index_cast %scan3A_305 : i32 to index
        %get3A_309 = arith.constant 0 : index
        %get3A_310 = tpu.vector_load %arg12[%get3A_308, %get3A_309] {strides = array<i32>} : memref<80x128xf32, #tpu.memory_space<vmem>>, vector<16xf32>,
        %get3A_311 = arith.index_cast %scan3A_305 : i32 to index
        %get3A_312 = arith.constant 0 : index
        %get3A_313 = tpu.vector_load %arg13[%get3A_311, %get3A_312] {strides = array<i32>} : memref<80x128xf32, #tpu.memory_space<vmem>>, vector<16xf32>,
        %mul3A_314 = arith.mulf %get3A_310, %get3A_313 : vector<16xf32>
        %mul3A_315 = arith.mulf %mul3A_314, %gather3A_307 : vector<16xf32>
        %swap3A_316 = arith.index_cast %scan3A_305 : i32 to index
        %swap3A_317 = arith.constant 0 : index
        %swap3A_318 = tpu.vector_load %arg12[%swap3A_316, %swap3A_317] {strides = array<i32>} : memref<80x128xf32, #tpu.memory_space<vmem>>, vector<16xf32>,
        tpu.vector_store %arg12[%swap3A_316, %swap3A_317], %mul3A_315 {strides = array<i32>} : memref<80x128xf32, #tpu.memory_space<vmem>>, vector<16xf32>,
        %get3A_319 = arith.index_cast %scan3A_305 : i32 to index
        %get3A_320 = arith.constant 16 : index
        %get3A_321 = tpu.vector_load %arg12[%get3A_319, %get3A_320] {strides = array<i32>} : memref<80x128xf32, #tpu.memory_space<vmem>>, vector<16xf32>,
        %get3A_322 = arith.index_cast %scan3A_305 : i32 to index
        %get3A_323 = arith.constant 16 : index
        %get3A_324 = tpu.vector_load %arg13[%get3A_322, %get3A_323] {strides = array<i32>} : memref<80x128xf32, #tpu.memory_space<vmem>>, vector<16xf32>,
        %mul3A_325 = arith.mulf %get3A_321, %get3A_324 : vector<16xf32>
        %mul3A_326 = arith.mulf %mul3A_325, %gather3A_307 : vector<16xf32>
        %swap3A_327 = arith.index_cast %scan3A_305 : i32 to index
        %swap3A_328 = arith.constant 16 : index
        %swap3A_329 = tpu.vector_load %arg12[%swap3A_327, %swap3A_328] {strides = array<i32>} : memref<80x128xf32, #tpu.memory_space<vmem>>, vector<16xf32>,
        tpu.vector_store %arg12[%swap3A_327, %swap3A_328], %mul3A_326 {strides = array<i32>} : memref<80x128xf32, #tpu.memory_space<vmem>>, vector<16xf32>,
        %get3A_330 = arith.index_cast %scan3A_305 : i32 to index
        %get3A_331 = arith.constant 32 : index
        %get3A_332 = tpu.vector_load %arg12[%get3A_330, %get3A_331] {strides = array<i32>} : memref<80x128xf32, #tpu.memory_space<vmem>>, vector<16xf32>,
        %get3A_333 = arith.index_cast %scan3A_305 : i32 to index
        %get3A_334 = arith.constant 32 : index
        %get3A_335 = tpu.vector_load %arg13[%get3A_333, %get3A_334] {strides = array<i32>} : memref<80x128xf32, #tpu.memory_space<vmem>>, vector<16xf32>,
        %mul3A_336 = arith.mulf %get3A_332, %get3A_335 : vector<16xf32>
        %mul3A_337 = arith.mulf %mul3A_336, %gather3A_307 : vector<16xf32>
        %swap3A_338 = arith.index_cast %scan3A_305 : i32 to index
        %swap3A_339 = arith.constant 32 : index
        %swap3A_340 = tpu.vector_load %arg12[%swap3A_338, %swap3A_339] {strides = array<i32>} : memref<80x128xf32, #tpu.memory_space<vmem>>, vector<16xf32>,
        tpu.vector_store %arg12[%swap3A_338, %swap3A_339], %mul3A_337 {strides = array<i32>} : memref<80x128xf32, #tpu.memory_space<vmem>>, vector<16xf32>,
        %get3A_341 = arith.index_cast %scan3A_305 : i32 to index
        %get3A_342 = arith.constant 48 : index
        %get3A_343 = tpu.vector_load %arg12[%get3A_341, %get3A_342] {strides = array<i32>} : memref<80x128xf32, #tpu.memory_space<vmem>>, vector<16xf32>,
        %get3A_344 = arith.index_cast %scan3A_305 : i32 to index
        %get3A_345 = arith.constant 48 : index
        %get3A_346 = tpu.vector_load %arg13[%get3A_344, %get3A_345] {strides = array<i32>} : memref<80x128xf32, #tpu.memory_space<vmem>>, vector<16xf32>,
        %mul3A_347 = arith.mulf %get3A_343, %get3A_346 : vector<16xf32>
        %mul3A_348 = arith.mulf %mul3A_347, %gather3A_307 : vector<16xf32>
        %swap3A_349 = arith.index_cast %scan3A_305 : i32 to index
        %swap3A_350 = arith.constant 48 : index
        %swap3A_351 = tpu.vector_load %arg12[%swap3A_349, %swap3A_350] {strides = array<i32>} : memref<80x128xf32, #tpu.memory_space<vmem>>, vector<16xf32>,
        tpu.vector_store %arg12[%swap3A_349, %swap3A_350], %mul3A_348 {strides = array<i32>} : memref<80x128xf32, #tpu.memory_space<vmem>>, vector<16xf32>,
        %get3A_352 = arith.index_cast %scan3A_305 : i32 to index
        %get3A_353 = arith.constant 64 : index
        %get3A_354 = tpu.vector_load %arg12[%get3A_352, %get3A_353] {strides = array<i32>} : memref<80x128xf32, #tpu.memory_space<vmem>>, vector<16xf32>,
        %get3A_355 = arith.index_cast %scan3A_305 : i32 to index
        %get3A_356 = arith.constant 64 : index
        %get3A_357 = tpu.vector_load %arg13[%get3A_355, %get3A_356] {strides = array<i32>} : memref<80x128xf32, #tpu.memory_space<vmem>>, vector<16xf32>,
        %mul3A_358 = arith.mulf %get3A_354, %get3A_357 : vector<16xf32>
        %mul3A_359 = arith.mulf %mul3A_358, %gather3A_307 : vector<16xf32>
        %swap3A_360 = arith.index_cast %scan3A_305 : i32 to index
        %swap3A_361 = arith.constant 64 : index
        %swap3A_362 = tpu.vector_load %arg12[%swap3A_360, %swap3A_361] {strides = array<i32>} : memref<80x128xf32, #tpu.memory_space<vmem>>, vector<16xf32>,
        tpu.vector_store %arg12[%swap3A_360, %swap3A_361], %mul3A_359 {strides = array<i32>} : memref<80x128xf32, #tpu.memory_space<vmem>>, vector<16xf32>,
        %get3A_363 = arith.index_cast %scan3A_305 : i32 to index
        %get3A_364 = arith.constant 80 : index
        %get3A_365 = tpu.vector_load %arg12[%get3A_363, %get3A_364] {strides = array<i32>} : memref<80x128xf32, #tpu.memory_space<vmem>>, vector<16xf32>,
        %get3A_366 = arith.index_cast %scan3A_305 : i32 to index
        %get3A_367 = arith.constant 80 : index
        %get3A_368 = tpu.vector_load %arg13[%get3A_366, %get3A_367] {strides = array<i32>} : memref<80x128xf32, #tpu.memory_space<vmem>>, vector<16xf32>,
        %mul3A_369 = arith.mulf %get3A_365, %get3A_368 : vector<16xf32>
        %mul3A_370 = arith.mulf %mul3A_369, %gather3A_307 : vector<16xf32>
        %swap3A_371 = arith.index_cast %scan3A_305 : i32 to index
        %swap3A_372 = arith.constant 80 : index
        %swap3A_373 = tpu.vector_load %arg12[%swap3A_371, %swap3A_372] {strides = array<i32>} : memref<80x128xf32, #tpu.memory_space<vmem>>, vector<16xf32>,
        tpu.vector_store %arg12[%swap3A_371, %swap3A_372], %mul3A_370 {strides = array<i32>} : memref<80x128xf32, #tpu.memory_space<vmem>>, vector<16xf32>,
        %get3A_374 = arith.index_cast %scan3A_305 : i32 to index
        %get3A_375 = arith.constant 96 : index
        %get3A_376 = tpu.vector_load %arg12[%get3A_374, %get3A_375] {strides = array<i32>} : memref<80x128xf32, #tpu.memory_space<vmem>>, vector<16xf32>,
        %get3A_377 = arith.index_cast %scan3A_305 : i32 to index
        %get3A_378 = arith.constant 96 : index
        %get3A_379 = tpu.vector_load %arg13[%get3A_377, %get3A_378] {strides = array<i32>} : memref<80x128xf32, #tpu.memory_space<vmem>>, vector<16xf32>,
        %mul3A_380 = arith.mulf %get3A_376, %get3A_379 : vector<16xf32>
        %mul3A_381 = arith.mulf %mul3A_380, %gather3A_307 : vector<16xf32>
        %swap3A_382 = arith.index_cast %scan3A_305 : i32 to index
        %swap3A_383 = arith.constant 96 : index
        %swap3A_384 = tpu.vector_load %arg12[%swap3A_382, %swap3A_383] {strides = array<i32>} : memref<80x128xf32, #tpu.memory_space<vmem>>, vector<16xf32>,
        tpu.vector_store %arg12[%swap3A_382, %swap3A_383], %mul3A_381 {strides = array<i32>} : memref<80x128xf32, #tpu.memory_space<vmem>>, vector<16xf32>,
        %get3A_385 = arith.index_cast %scan3A_305 : i32 to index
        %get3A_386 = arith.constant 112 : index
        %get3A_387 = tpu.vector_load %arg12[%get3A_385, %get3A_386] {strides = array<i32>} : memref<80x128xf32, #tpu.memory_space<vmem>>, vector<16xf32>,
        %get3A_388 = arith.index_cast %scan3A_305 : i32 to index
        %get3A_389 = arith.constant 112 : index
        %get3A_390 = tpu.vector_load %arg13[%get3A_388, %get3A_389] {strides = array<i32>} : memref<80x128xf32, #tpu.memory_space<vmem>>, vector<16xf32>,
        %mul3A_391 = arith.mulf %get3A_387, %get3A_390 : vector<16xf32>
        %mul3A_392 = arith.mulf %mul3A_391, %gather3A_307 : vector<16xf32>
        %swap3A_393 = arith.index_cast %scan3A_305 : i32 to index
        %swap3A_394 = arith.constant 112 : index
        %swap3A_395 = tpu.vector_load %arg12[%swap3A_393, %swap3A_394] {strides = array<i32>} : memref<80x128xf32, #tpu.memory_space<vmem>>, vector<16xf32>,
        tpu.vector_store %arg12[%swap3A_393, %swap3A_394], %mul3A_392 {strides = array<i32>} : memref<80x128xf32, #tpu.memory_space<vmem>>, vector<16xf32>,
        %scan3A_396 = arith.constant 0 : i32
        scf.yield %scan3A_396 : i32
      }
      %scan3A_27 = arith.constant 80 : i32
      "tpu.region"() ({
        %run_scoped3A = tpu.sem_alloc : memref<!tpu.dma_semaphore, #tpu.memory_space<semaphore_mem>>
        %dma_start3A_29 = arith.constant 0 : i32
        %dma_start3A_30 = arith.constant 0 : i32
        %dma_start3A_31 = tpu.memref_slice %arg9[%dma_start3A_29, %dma_start3A_30] : memref<10240x128xf32, #tpu.memory_space<vmem_shared>> -> memref<10240x128xf32, #tpu.memory_space<vmem_shared>>
        tpu.enqueue_indirect_dma source(%arg12 : memref<80x128xf32, #tpu.memory_space<vmem>>) target(%dma_start3A_31 : memref<10240x128xf32, #tpu.memory_space<vmem_shared>>) offsets(%arg11 : memref<80xi32, #tpu.memory_space<vmem>>) semaphore(%run_scoped3A : memref<!tpu.dma_semaphore, #tpu.memory_space<semaphore_mem>>) {add = true}
        %dma_wait3A_32 = arith.constant 0 : i32
        %dma_wait3A_33 = arith.constant 0 : i32
        %dma_wait3A_34 = tpu.memref_slice %arg9[%dma_wait3A_32, %dma_wait3A_33] : memref<10240x128xf32, #tpu.memory_space<vmem_shared>> -> memref<10240x128xf32, #tpu.memory_space<vmem_shared>>
        tpu.wait_indirect_dma semaphore(%run_scoped3A : memref<!tpu.dma_semaphore, #tpu.memory_space<semaphore_mem>>) src(%arg12 : memref<80x128xf32, #tpu.memory_space<vmem>>) dst(%dma_wait3A_34 : memref<10240x128xf32, #tpu.memory_space<vmem_shared>>)
        tpu.yield
      }) : () -> ()
      %scan3A_28 = arith.constant 0 : i32
      scf.yield %scan3A_28 : i32
    }
    %scan3A_10 = arith.constant 125 : i32
    %barrier3A_11 = arith.constant 0 : index
    tpu.barrier barrier_id(%barrier3A_11)
    "tpu.region"() ({
      %run_scoped3A = tpu.sem_alloc : memref<!tpu.dma_semaphore, #tpu.memory_space<semaphore_mem>>
      %dma_start3A = arith.constant 0 : i32
      %dma_start3A_12 = tpu.memref_slice %arg8[%arg0, %mul3A_0, %dma_start3A] : memref<2x10240x128xf32, #tpu.memory_space<hbm>> -> memref<1x640x128xf32, #tpu.memory_space<hbm>>
      %dma_start3A_13 = tpu.memref_squeeze %dma_start3A_12 : memref<1x640x128xf32, #tpu.memory_space<hbm>> -> memref<640x128xf32, #tpu.memory_space<hbm>>
      %dma_start3A_14 = arith.constant 0 : i32
      %dma_start3A_15 = tpu.memref_slice %arg9[%mul3A_0, %dma_start3A_14] : memref<10240x128xf32, #tpu.memory_space<vmem_shared>> -> memref<640x128xf32, #tpu.memory_space<vmem_shared>>
      tpu.enqueue_dma source(%dma_start3A_15 : memref<640x128xf32, #tpu.memory_space<vmem_shared>>) target(%dma_start3A_13 : memref<640x128xf32, #tpu.memory_space<hbm>>) target_semaphore(%run_scoped3A : memref<!tpu.dma_semaphore, #tpu.memory_space<semaphore_mem>>)
      %dma_wait3A = arith.constant 0 : i32
      %dma_wait3A_16 = tpu.memref_slice %arg8[%arg0, %mul3A_0, %dma_wait3A] : memref<2x10240x128xf32, #tpu.memory_space<hbm>> -> memref<1x640x128xf32, #tpu.memory_space<hbm>>
      %dma_wait3A_17 = tpu.memref_squeeze %dma_wait3A_16 : memref<1x640x128xf32, #tpu.memory_space<hbm>> -> memref<640x128xf32, #tpu.memory_space<hbm>>
      %dma_wait3A_18 = arith.constant 0 : i32
      %dma_wait3A_19 = tpu.memref_slice %arg9[%mul3A_0, %dma_wait3A_18] : memref<10240x128xf32, #tpu.memory_space<vmem_shared>> -> memref<640x128xf32, #tpu.memory_space<vmem_shared>>
      tpu.wait_dma2 semaphore(%run_scoped3A : memref<!tpu.dma_semaphore, #tpu.memory_space<semaphore_mem>>) src(%dma_wait3A_19 : memref<640x128xf32, #tpu.memory_space<vmem_shared>>) dst(%dma_wait3A_17 : memref<640x128xf32, #tpu.memory_space<hbm>>)
      tpu.yield
    }) : () -> ()
    return
  }
}

module attributes {stable_mosaic.version = 14 : i64} {
  func.func @_linear_body(%arg0: i32, %arg1: memref<2000x128xf32, #tpu.memory_space<vmem>>, %arg2: memref<128x128xf32, #tpu.memory_space<vmem>>, %arg3: memref<2000x128xf32, #tpu.memory_space<vmem>>) attributes {dimension_semantics = [#tpu.dimension_semantics<arbitrary>], iteration_bounds = array<i64: 5>, scalar_prefetch = 0 : i64, scratch_operands = 0 : i64, tpu.core_type = #tpu.core_type<tc>, window_params = [{transform_indices = @transform_0, window_bounds = array<i64: 2000, 128>}, {pipeline_mode = #tpu.pipeline_mode<synchronous>, transform_indices = @transform_1, window_bounds = array<i64: 128, 128>}, {transform_indices = @transform_2, window_bounds = array<i64: 2000, 128>}]} {
    %get3A = arith.constant 0 : index
    %get3A_0 = arith.constant 0 : index
    %get3A_1 = vector.load %arg1[%get3A, %get3A_0] : memref<2000x128xf32, #tpu.memory_space<vmem>>, vector<2000x128xf32>
    %get3A_2 = arith.constant 0 : index
    %get3A_3 = arith.constant 0 : index
    %get3A_4 = vector.load %arg2[%get3A_2, %get3A_3] : memref<128x128xf32, #tpu.memory_space<vmem>>, vector<128x128xf32>
    %dot_general3A = arith.constant dense<0.000000e+00> : vector<2000x128xf32>
    %dot_general3A_5 = tpu.matmul %get3A_1, %get3A_4, %dot_general3A {dimension_numbers = #tpu.dot_dimension_numbers<[1], [0], [0], [1], [0, 0, 1, 1], [], []>, precision = #tpu.contract_precision<fp32>, transpose_lhs_hint = false} : vector<2000x128xf32>, vector<128x128xf32>, vector<2000x128xf32> -> vector<2000x128xf32>
    %swap3A = arith.constant 0 : index
    %swap3A_6 = arith.constant 0 : index
    %swap3A_7 = vector.load %arg3[%swap3A, %swap3A_6] : memref<2000x128xf32, #tpu.memory_space<vmem>>, vector<2000x128xf32>
    tpu.vector_store %arg3[%swap3A, %swap3A_6], %dot_general3A_5 {strides = array<i32>} : memref<2000x128xf32, #tpu.memory_space<vmem>>, vector<2000x128xf32>,
    return
  }
  func.func @transform_0(%arg0: i32) -> (i32, i32) {
    %c0_i32 = arith.constant 0 : i32
    %c0_i32_0 = arith.constant 0 : i32
    return %arg0, %c0_i32 : i32, i32
  }
  func.func @transform_1(%arg0: i32) -> (i32, i32) {
    %c0_i32 = arith.constant 0 : i32
    %c0_i32_0 = arith.constant 0 : i32
    %c0_i32_1 = arith.constant 0 : i32
    return %c0_i32, %c0_i32_0 : i32, i32
  }
  func.func @transform_2(%arg0: i32) -> (i32, i32) {
    %c0_i32 = arith.constant 0 : i32
    %c0_i32_0 = arith.constant 0 : i32
    return %arg0, %c0_i32 : i32, i32
  }
}

module attributes {stable_mosaic.version = 14 : i64} {
  func.func @_filter_body(%arg0: i32, %arg1: memref<512x16xf32, #tpu.memory_space<vmem>>, %arg2: memref<1x4x128xf32, #tpu.memory_space<vmem>>, %arg3: memref<16x128xf32, #tpu.memory_space<vmem>>, %arg4: memref<1x128xf32, #tpu.memory_space<vmem>>, %arg5: memref<128x128xf32, #tpu.memory_space<vmem>>, %arg6: memref<1x128xf32, #tpu.memory_space<vmem>>, %arg7: memref<512x128xf32, #tpu.memory_space<vmem>>, %arg8: memref<512xf32, #tpu.memory_space<vmem>>) attributes {dimension_semantics = [#tpu.dimension_semantics<arbitrary>], iteration_bounds = array<i64: 625>, scalar_prefetch = 0 : i64, scratch_operands = 0 : i64, tpu.core_type = #tpu.core_type<tc>, window_params = [{transform_indices = @transform_0, window_bounds = array<i64: 512, 16>}, {transform_indices = @transform_1, window_bounds = array<i64: 1, 4, 128>}, {pipeline_mode = #tpu.pipeline_mode<synchronous>, transform_indices = @transform_2, window_bounds = array<i64: 16, 128>}, {pipeline_mode = #tpu.pipeline_mode<synchronous>, transform_indices = @transform_3, window_bounds = array<i64: 1, 128>}, {pipeline_mode = #tpu.pipeline_mode<synchronous>, transform_indices = @transform_4, window_bounds = array<i64: 128, 128>}, {pipeline_mode = #tpu.pipeline_mode<synchronous>, transform_indices = @transform_5, window_bounds = array<i64: 1, 128>}, {transform_indices = @transform_6, window_bounds = array<i64: 512, 128>}, {transform_indices = @transform_7, window_bounds = array<i64: 512>}]} {
    %get3A = arith.constant 0 : index
    %get3A_0 = arith.constant 0 : index
    %get3A_1 = vector.load %arg1[%get3A, %get3A_0] : memref<512x16xf32, #tpu.memory_space<vmem>>, vector<512x16xf32>
    %get3A_2 = arith.constant 0 : index
    %get3A_3 = arith.constant 0 : index
    %get3A_4 = vector.load %arg3[%get3A_2, %get3A_3] : memref<16x128xf32, #tpu.memory_space<vmem>>, vector<16x128xf32>
    %dot_general3A = arith.constant dense<0.000000e+00> : vector<512x128xf32>
    %dot_general3A_5 = tpu.matmul %get3A_1, %get3A_4, %dot_general3A {dimension_numbers = #tpu.dot_dimension_numbers<[1], [0], [0], [1], [0, 0, 1, 1], [], []>, precision = #tpu.contract_precision<fp32>, transpose_lhs_hint = false} : vector<512x16xf32>, vector<16x128xf32>, vector<512x128xf32> -> vector<512x128xf32>
    %get3A_6 = arith.constant 0 : index
    %get3A_7 = arith.constant 0 : index
    %get3A_8 = vector.load %arg4[%get3A_6, %get3A_7] : memref<1x128xf32, #tpu.memory_space<vmem>>, vector<1x128xf32>
    %add3A = vector.broadcast %get3A_8 : vector<1x128xf32> to vector<512x128xf32>
    %add3A_9 = arith.addf %dot_general3A_5, %add3A : vector<512x128xf32>
    %custom_jvp_call3A = arith.constant 0.000000e+00 : f32
    %max3A = vector.broadcast %custom_jvp_call3A : f32 to vector<512x128xf32>
    %max3A_10 = arith.maximumf %add3A_9, %max3A : vector<512x128xf32>
    %sub3A = vector.broadcast %custom_jvp_call3A : f32 to vector<512x128xf32>
    %sub3A_11 = arith.subf %add3A_9, %sub3A : vector<512x128xf32>
    %ne3A = arith.cmpf one, %sub3A_11, %sub3A_11 : vector<512x128xf32>
    %add3A_12 = vector.broadcast %custom_jvp_call3A : f32 to vector<512x128xf32>
    %add3A_13 = arith.addf %add3A_9, %add3A_12 : vector<512x128xf32>
    %abs3A = math.absf %sub3A_11 : vector<512x128xf32>
    %neg3A = arith.constant 0.000000e+00 : f32
    %neg3A_14 = vector.broadcast %neg3A : f32 to vector<512x128xf32>
    %neg3A_15 = arith.subf %neg3A_14, %abs3A : vector<512x128xf32>
    %exp3A = math.exp %neg3A_15 : vector<512x128xf32>
    %log1p3A = math.log1p %exp3A : vector<512x128xf32>
    %add3A_16 = arith.addf %max3A_10, %log1p3A : vector<512x128xf32>
    %select_n3A = arith.select %ne3A, %add3A_13, %add3A_16 : vector<512x128xi1>, vector<512x128xf32>
    %sub3A_17 = arith.constant 0.693147182 : f32
    %sub3A_18 = vector.broadcast %sub3A_17 : f32 to vector<512x128xf32>
    %sub3A_19 = arith.subf %select_n3A, %sub3A_18 : vector<512x128xf32>
    %get3A_20 = arith.constant 0 : index
    %get3A_21 = arith.constant 0 : index
    %get3A_22 = vector.load %arg5[%get3A_20, %get3A_21] : memref<128x128xf32, #tpu.memory_space<vmem>>, vector<128x128xf32>
    %dot_general3A_23 = arith.constant dense<0.000000e+00> : vector<512x128xf32>
    %dot_general3A_24 = tpu.matmul %sub3A_19, %get3A_22, %dot_general3A_23 {dimension_numbers = #tpu.dot_dimension_numbers<[1], [0], [0], [1], [0, 0, 1, 1], [], []>, transpose_lhs_hint = false} : vector<512x128xf32>, vector<128x128xf32>, vector<512x128xf32> -> vector<512x128xf32>
    %get3A_25 = arith.constant 0 : index
    %get3A_26 = arith.constant 0 : index
    %get3A_27 = vector.load %arg6[%get3A_25, %get3A_26] : memref<1x128xf32, #tpu.memory_space<vmem>>, vector<1x128xf32>
    %add3A_28 = vector.broadcast %get3A_27 : vector<1x128xf32> to vector<512x128xf32>
    %add3A_29 = arith.addf %dot_general3A_24, %add3A_28 : vector<512x128xf32>
    %swap3A = arith.constant 0 : index
    %swap3A_30 = arith.constant 0 : index
    %swap3A_31 = vector.load %arg7[%swap3A, %swap3A_30] : memref<512x128xf32, #tpu.memory_space<vmem>>, vector<512x128xf32>
    tpu.vector_store %arg7[%swap3A, %swap3A_30], %add3A_29 {strides = array<i32>} : memref<512x128xf32, #tpu.memory_space<vmem>>, vector<512x128xf32>,
    %get3A_32 = arith.constant 0 : index
    %get3A_33 = arith.constant 0 : index
    %get3A_34 = arith.constant 0 : index
    %get3A_35 = vector.load %arg2[%get3A_32, %get3A_33, %get3A_34] : memref<1x4x128xf32, #tpu.memory_space<vmem>>, vector<1x4x128xf32>
    %mul3A = arith.constant 3.14159274 : f32
    %mul3A_36 = vector.broadcast %mul3A : f32 to vector<1x4x128xf32>
    %mul3A_37 = arith.mulf %get3A_35, %mul3A_36 : vector<1x4x128xf32>
    %cos3A = math.cos %mul3A_37 : vector<1x4x128xf32>
    %add3A_38 = arith.constant 1.000000e+00 : f32
    %add3A_39 = vector.broadcast %add3A_38 : f32 to vector<1x4x128xf32>
    %add3A_40 = arith.addf %cos3A, %add3A_39 : vector<1x4x128xf32>
    %mul3A_41 = arith.constant 5.000000e-01 : f32
    %mul3A_42 = vector.broadcast %mul3A_41 : f32 to vector<1x4x128xf32>
    %mul3A_43 = arith.mulf %mul3A_42, %add3A_40 : vector<1x4x128xf32>
    %lt3A = arith.constant 1.000000e+00 : f32
    %lt3A_44 = vector.broadcast %lt3A : f32 to vector<1x4x128xf32>
    %lt3A_45 = arith.cmpf olt, %get3A_35, %lt3A_44 : vector<1x4x128xf32>
    %convert_element_type3A = arith.extui %lt3A_45 : vector<1x4x128xi1> to vector<1x4x128xi32>
    %convert_element_type3A_46 = arith.sitofp %convert_element_type3A : vector<1x4x128xi32> to vector<1x4x128xf32>
    %mul3A_47 = arith.mulf %mul3A_43, %convert_element_type3A_46 : vector<1x4x128xf32>
    %reshape3A = vector.shape_cast %mul3A_47 : vector<1x4x128xf32> to vector<512xf32>
    %swap3A_48 = arith.constant 0 : index
    %swap3A_49 = vector.load %arg8[%swap3A_48] : memref<512xf32, #tpu.memory_space<vmem>>, vector<512xf32>
    tpu.vector_store %arg8[%swap3A_48], %reshape3A {strides = array<i32>} : memref<512xf32, #tpu.memory_space<vmem>>, vector<512xf32>,
    return
  }
  func.func @transform_0(%arg0: i32) -> (i32, i32) {
    %c0_i32 = arith.constant 0 : i32
    %c0_i32_0 = arith.constant 0 : i32
    return %arg0, %c0_i32 : i32, i32
  }
  func.func @transform_1(%arg0: i32) -> (i32, i32, i32) {
    %c0_i32 = arith.constant 0 : i32
    %c0_i32_0 = arith.constant 0 : i32
    %c0_i32_1 = arith.constant 0 : i32
    return %arg0, %c0_i32, %c0_i32_0 : i32, i32, i32
  }
  func.func @transform_2(%arg0: i32) -> (i32, i32) {
    %c0_i32 = arith.constant 0 : i32
    %c0_i32_0 = arith.constant 0 : i32
    %c0_i32_1 = arith.constant 0 : i32
    return %c0_i32, %c0_i32_0 : i32, i32
  }
  func.func @transform_3(%arg0: i32) -> (i32, i32) {
    %c0_i32 = arith.constant 0 : i32
    %c0_i32_0 = arith.constant 0 : i32
    %c0_i32_1 = arith.constant 0 : i32
    return %c0_i32, %c0_i32_0 : i32, i32
  }
  func.func @transform_4(%arg0: i32) -> (i32, i32) {
    %c0_i32 = arith.constant 0 : i32
    %c0_i32_0 = arith.constant 0 : i32
    %c0_i32_1 = arith.constant 0 : i32
    return %c0_i32, %c0_i32_0 : i32, i32
  }
  func.func @transform_5(%arg0: i32) -> (i32, i32) {
    %c0_i32 = arith.constant 0 : i32
    %c0_i32_0 = arith.constant 0 : i32
    %c0_i32_1 = arith.constant 0 : i32
    return %c0_i32, %c0_i32_0 : i32, i32
  }
  func.func @transform_6(%arg0: i32) -> (i32, i32) {
    %c0_i32 = arith.constant 0 : i32
    %c0_i32_0 = arith.constant 0 : i32
    return %arg0, %c0_i32 : i32, i32
  }
  func.func @transform_7(%arg0: i32) -> i32 {
    %c0_i32 = arith.constant 0 : i32
    return %arg0 : i32
  }
}

module attributes {stable_mosaic.version = 14 : i64} {
  func.func @_head_body(%arg0: i32, %arg1: memref<2x2048x128xf32, #tpu.memory_space<vmem>>, %arg2: memref<128x128xf32, #tpu.memory_space<vmem>>, %arg3: memref<1x128xf32, #tpu.memory_space<vmem>>, %arg4: memref<2048x128xf32, #tpu.memory_space<vmem>>) attributes {dimension_semantics = [#tpu.dimension_semantics<arbitrary>], iteration_bounds = array<i64: 5>, scalar_prefetch = 0 : i64, scratch_operands = 0 : i64, tpu.core_type = #tpu.core_type<tc>, window_params = [{transform_indices = @transform_0, window_bounds = array<i64: 2, 2048, 128>}, {pipeline_mode = #tpu.pipeline_mode<synchronous>, transform_indices = @transform_1, window_bounds = array<i64: 128, 128>}, {pipeline_mode = #tpu.pipeline_mode<synchronous>, transform_indices = @transform_2, window_bounds = array<i64: 1, 128>}, {transform_indices = @transform_3, window_bounds = array<i64: 2048, 128>}]} {
    %get3A = arith.constant 0 : index
    %get3A_0 = arith.constant 0 : index
    %get3A_1 = arith.constant 0 : index
    %get3A_2 = vector.load %arg1[%get3A, %get3A_0, %get3A_1] : memref<2x2048x128xf32, #tpu.memory_space<vmem>>, vector<1x2048x128xf32>
    %get3A_3 = vector.shape_cast %get3A_2 : vector<1x2048x128xf32> to vector<2048x128xf32>
    %get3A_4 = arith.constant 1 : index
    %get3A_5 = arith.constant 0 : index
    %get3A_6 = arith.constant 0 : index
    %get3A_7 = vector.load %arg1[%get3A_4, %get3A_5, %get3A_6] : memref<2x2048x128xf32, #tpu.memory_space<vmem>>, vector<1x2048x128xf32>
    %get3A_8 = vector.shape_cast %get3A_7 : vector<1x2048x128xf32> to vector<2048x128xf32>
    %add3A = arith.addf %get3A_3, %get3A_8 : vector<2048x128xf32>
    %get3A_9 = arith.constant 0 : index
    %get3A_10 = arith.constant 0 : index
    %get3A_11 = vector.load %arg2[%get3A_9, %get3A_10] : memref<128x128xf32, #tpu.memory_space<vmem>>, vector<128x128xf32>
    %dot_general3A = arith.constant dense<0.000000e+00> : vector<2048x128xf32>
    %dot_general3A_12 = tpu.matmul %add3A, %get3A_11, %dot_general3A {dimension_numbers = #tpu.dot_dimension_numbers<[1], [0], [0], [1], [0, 0, 1, 1], [], []>, precision = #tpu.contract_precision<fp32>, transpose_lhs_hint = false} : vector<2048x128xf32>, vector<128x128xf32>, vector<2048x128xf32> -> vector<2048x128xf32>
    %get3A_13 = arith.constant 0 : index
    %get3A_14 = arith.constant 0 : index
    %get3A_15 = vector.load %arg3[%get3A_13, %get3A_14] : memref<1x128xf32, #tpu.memory_space<vmem>>, vector<1x128xf32>
    %add3A_16 = vector.broadcast %get3A_15 : vector<1x128xf32> to vector<2048x128xf32>
    %add3A_17 = arith.addf %dot_general3A_12, %add3A_16 : vector<2048x128xf32>
    %custom_jvp_call3A = arith.constant 0.000000e+00 : f32
    %max3A = vector.broadcast %custom_jvp_call3A : f32 to vector<2048x128xf32>
    %max3A_18 = arith.maximumf %add3A_17, %max3A : vector<2048x128xf32>
    %sub3A = vector.broadcast %custom_jvp_call3A : f32 to vector<2048x128xf32>
    %sub3A_19 = arith.subf %add3A_17, %sub3A : vector<2048x128xf32>
    %ne3A = arith.cmpf one, %sub3A_19, %sub3A_19 : vector<2048x128xf32>
    %add3A_20 = vector.broadcast %custom_jvp_call3A : f32 to vector<2048x128xf32>
    %add3A_21 = arith.addf %add3A_17, %add3A_20 : vector<2048x128xf32>
    %abs3A = math.absf %sub3A_19 : vector<2048x128xf32>
    %neg3A = arith.constant 0.000000e+00 : f32
    %neg3A_22 = vector.broadcast %neg3A : f32 to vector<2048x128xf32>
    %neg3A_23 = arith.subf %neg3A_22, %abs3A : vector<2048x128xf32>
    %exp3A = math.exp %neg3A_23 : vector<2048x128xf32>
    %log1p3A = math.log1p %exp3A : vector<2048x128xf32>
    %add3A_24 = arith.addf %max3A_18, %log1p3A : vector<2048x128xf32>
    %select_n3A = arith.select %ne3A, %add3A_21, %add3A_24 : vector<2048x128xi1>, vector<2048x128xf32>
    %sub3A_25 = arith.constant 0.693147182 : f32
    %sub3A_26 = vector.broadcast %sub3A_25 : f32 to vector<2048x128xf32>
    %sub3A_27 = arith.subf %select_n3A, %sub3A_26 : vector<2048x128xf32>
    %swap3A = arith.constant 0 : index
    %swap3A_28 = arith.constant 0 : index
    %swap3A_29 = vector.load %arg4[%swap3A, %swap3A_28] : memref<2048x128xf32, #tpu.memory_space<vmem>>, vector<2048x128xf32>
    tpu.vector_store %arg4[%swap3A, %swap3A_28], %sub3A_27 {strides = array<i32>} : memref<2048x128xf32, #tpu.memory_space<vmem>>, vector<2048x128xf32>,
    return
  }
  func.func @transform_0(%arg0: i32) -> (i32, i32, i32) {
    %c0_i32 = arith.constant 0 : i32
    %c0_i32_0 = arith.constant 0 : i32
    %c0_i32_1 = arith.constant 0 : i32
    return %c0_i32, %arg0, %c0_i32_0 : i32, i32, i32
  }
  func.func @transform_1(%arg0: i32) -> (i32, i32) {
    %c0_i32 = arith.constant 0 : i32
    %c0_i32_0 = arith.constant 0 : i32
    %c0_i32_1 = arith.constant 0 : i32
    return %c0_i32, %c0_i32_0 : i32, i32
  }
  func.func @transform_2(%arg0: i32) -> (i32, i32) {
    %c0_i32 = arith.constant 0 : i32
    %c0_i32_0 = arith.constant 0 : i32
    %c0_i32_1 = arith.constant 0 : i32
    return %c0_i32, %c0_i32_0 : i32, i32
  }
  func.func @transform_3(%arg0: i32) -> (i32, i32) {
    %c0_i32 = arith.constant 0 : i32
    %c0_i32_0 = arith.constant 0 : i32
    return %arg0, %c0_i32 : i32, i32
  }
}

</mosaic_0001>

<sc_bundles>
// kernel: kernel.6.cloned.1.call-start
scs
__scs_entry_jumppad:
0x0: {  	(pc) =	sbr.rel $0x88, $3  }
0x1: {  	(tag) =	ssettag $0x0;
	lr =	simm.s32 $0x1  }
0x2: {  	[smem:$0x3F95] =	sst lr;
	_ =	strace $0xD0000000  }
0x3: {  	_ = 	snop  }
0x4: {  	_ = 	snop  }
0x5: {  	_ = 	snop  }
0x6: {  	_ = 	snop  }
0x7: {  	_ = 	snop  }
__scs_overlays_trampoline_lowered:
0x8: {  	[smem:$0x3FA4] =	sst s0  }
0x9: {  	[smem:$0x3FA5] =	sst s1  }
0xa: {  	[smem:$0x3FA6] =	sst s2  }
0xb: {  	[smem:$0x3FA7] =	sst s3  }
0xc: {  	[smem:$0x3FA8] =	sst s4  }
0xd: {  	[smem:$0x3FA9] =	sst s5  }
0xe: {  	[smem:$0x3FAA] =	sst s6  }
0xf: {  	[smem:$0x3FAB] =	sst s7  }
0x10: {  	[smem:$0x3FAC] =	sst s8  }
0x11: {  	[smem:$0x3FAD] =	sst s9;
	s0 =	simm.s32 @!p0 $0x0  }
0x12: {  	s1 =	sld [smem:$0x3F93];
	s0 =	simm.s32 @p0 $0x1  }
0x13: {  	[smem:$0x3FAE] =	sst s0;
	s0 =	simm.s32 @!p1 $0x0  }
0x14: {  	s2 =	sld [smem:$0x3F92];
	s0 =	simm.s32 @p1 $0x1  }
0x15: {  	[smem:$0x3FAF] =	sst s0;
	s0 =	simm.s32 @!p2 $0x0  }
0x16: {  	s3 =	sld [smem:$0x3FDB];
	s0 =	simm.s32 @p2 $0x1  }
0x17: {  	s4 =	simm.s32 $0x1BF5;
	[smem:$0x3FB1] =	sst s0  }
0x18: {  	s0 =	sld [smem:$0x3F94];
	_ =	swait.ge [sflag:s4], $0x0  }
0x19: {  	s7 =	sld [smem:$0x3F95]  }
0x1a: {  	s8 =	sadd.s32 $0xFFFFE003, lr  }
0x1b: {  	s9 =	sadd.s32 $0xFFFFFEF7, lr;
	s5 =	simm.s32 $0xFFFFFFFF;
	p2 =	slt.u32 s8, $0xFFFFF086  }
0x1c: {  	p1 =	slt.u32 s9, $0xF7A;
	s5 =	simm.s32 @!p2 $0x0  }
0x1d: {  	s5 =	simm.s32 @p1 $0x1;
	p0 =	seq.s32 s7, s2  }
0x1e: {  	s7 =	smul.u32 @!p0 $0xF7A, s2;
	p2 =	seq.s32 @!p0 s5, $0x0  }
0x1f: {  	s9 =	smul.u32 $0xF7A, s1;
	s8 =	simm.s32 @!p0 $0x1BF5;
	p2 =	por !p2, p0  }
0x20: {  	[sflag:s8] =	ssyncset.s32 @!p0 $0xFFFFF086;
	s6 =	sadd.s32 @!p0 s3, s7;
	s7 =	simm.s32 @!p0 $0x108  }
0x21: {  	s3 =	sadd.s32 s3, s9;
	s6 =	sadd.s32 @!p0 $0x88, s6;
	s7 =	simm.s32 @p2 $0x1082  }
0x22: {  	[simem:s7], [sflag:s8] =	dma.local @!p0 [hbm:s6], $0xF7A  }
0x23: {  	s9 =	sor.u32 $0xD0000000, s2;
	s6 =	simm.s32 $0x108;
	_ =	swait.ge @!p0 [sflag:s8], $0x0  }
0x24: {  	s3 =	sadd.s32 $0x88, s3;
	s6 =	simm.s32 @!p1 $0x1082;
	[sflag:s4] =	ssyncset.s32 $0xFFFFF086  }
0x25: {  	[simem:s6], [sflag:s4] =	dma.local [hbm:s3], $0xF7A  }
0x26: {  	[smem:$0x3F95] =	sst s1;
	(tag) =	ssettag s2;
	_ =	strace s9  }
0x27: {  	s1 =	sld [smem:$0x3FA5]  }
0x28: {  	s2 =	sld [smem:$0x3FA6]  }
0x29: {  	s4 =	sld [smem:$0x3FA8]  }
0x2a: {  	p0 =	seq.s32 s5, $0x0;
	s5 =	sld [smem:$0x3FA9]  }
0x2b: {  	s6 =	sld [smem:$0x3FAA]  }
0x2c: {  	s7 =	sld [smem:$0x3FAB]  }
0x2d: {  	s3 =	simm.s32 $0x108;
	s8 =	sld [smem:$0x3FAC]  }
0x2e: {  	s3 =	simm.s32 @!p0 $0x1082;
	s9 =	sld [smem:$0x3FAD]  }
0x2f: {  	lr =	sadd.s32 s0, s3;
	s0 =	sld [smem:$0x3FA4]  }
0x30: {  	s3 =	sld [smem:$0x3FA7]  }
0x31: {  	[smem:$0x3FB0] =	sst s10  }
0x32: {  	s10 =	sld [smem:$0x3FAE];
	_ =	sdelay $0x3  }
0x33: {  	p0 =	seq.s32 s10, $0x1;
	s10 =	sld [smem:$0x3FB0];
	_ =	sdelay $0x3  }
0x34: {  	[smem:$0x3FB0] =	sst s10  }
0x35: {  	s10 =	sld [smem:$0x3FAF];
	_ =	sdelay $0x3  }
0x36: {  	p1 =	seq.s32 s10, $0x1;
	s10 =	sld [smem:$0x3FB0];
	_ =	sdelay $0x3  }
0x37: {  	[smem:$0x3FB0] =	sst s10  }
0x38: {  	s10 =	sld [smem:$0x3FB1]  }
0x39: {  	_ = 	snop;
	(pc) =	sbr.ind lr, $3  }
0x3a: {  	_ = 	snop  }
0x3b: {  	_ = 	snop  }
0x3c: {  	p2 =	seq.s32 s10, $0x1;
	s10 =	sld [smem:$0x3FB0]  }
0x3d: {  	_ =	shalt  }
0x3e: {  	_ =	shalt  }
0x3f: {  	_ =	shalt  }
0x40: {  	_ =	shalt  }
0x41: {  	_ =	shalt  }
0x42: {  	_ =	shalt  }
0x43: {  	_ =	shalt  }
0x44: {  	_ =	shalt  }
0x45: {  	_ =	shalt  }
0x46: {  	_ =	shalt  }
0x47: {  	_ =	shalt  }
0x48: {  	_ =	shalt  }
0x49: {  	_ =	shalt  }
0x4a: {  	_ =	shalt  }
0x4b: {  	_ =	shalt  }
0x4c: {  	_ =	shalt  }
0x4d: {  	_ =	shalt  }
0x4e: {  	_ =	shalt  }
0x4f: {  	_ =	shalt  }
0x50: {  	_ =	shalt  }
0x51: {  	_ =	shalt  }
0x52: {  	_ =	shalt  }
0x53: {  	_ =	shalt  }
0x54: {  	_ =	shalt  }
0x55: {  	_ =	shalt  }
0x56: {  	_ =	shalt  }
0x57: {  	_ =	shalt  }
0x58: {  	_ =	shalt  }
0x59: {  	_ =	shalt  }
0x5a: {  	_ =	shalt  }
0x5b: {  	_ =	shalt  }
0x5c: {  	_ =	shalt  }
0x5d: {  	_ =	shalt  }
0x5e: {  	_ =	shalt  }
0x5f: {  	_ =	shalt  }
0x60: {  	_ =	shalt  }
0x61: {  	_ =	shalt  }
0x62: {  	_ =	shalt  }
0x63: {  	_ =	shalt  }
0x64: {  	_ =	shalt  }
0x65: {  	_ =	shalt  }
0x66: {  	_ =	shalt  }
0x67: {  	_ =	shalt  }
0x68: {  	_ =	shalt  }
0x69: {  	_ =	shalt  }
0x6a: {  	_ =	shalt  }
0x6b: {  	_ =	shalt  }
0x6c: {  	_ =	shalt  }
0x6d: {  	_ =	shalt  }
0x6e: {  	_ =	shalt  }
0x6f: {  	_ =	shalt  }
0x70: {  	_ =	shalt  }
0x71: {  	_ =	shalt  }
0x72: {  	_ =	shalt  }
0x73: {  	_ =	shalt  }
0x74: {  	_ =	shalt  }
0x75: {  	_ =	shalt  }
0x76: {  	_ =	shalt  }
0x77: {  	_ =	shalt  }
0x78: {  	_ =	shalt  }
0x79: {  	_ =	shalt  }
0x7a: {  	_ =	shalt  }
0x7b: {  	_ =	shalt  }
0x7c: {  	_ =	shalt  }
0x7d: {  	_ =	shalt  }
0x7e: {  	_ =	shalt  }
0x7f: {  	_ =	shalt  }
0x80: {  	_ =	shalt  }
0x81: {  	_ =	shalt  }
0x82: {  	_ =	shalt  }
0x83: {  	_ =	shalt  }
0x84: {  	_ =	shalt  }
0x85: {  	_ =	shalt  }
0x86: {  	_ =	shalt  }
0x87: {  	_ =	shalt  }
.Lfunc_end0:
.L_simem_size_0:
called_computation_lowered:
.L_overlay_start_0:
0x88: {  	s2 =	sld [smem:$0x3FD9]  }
0x89: {  	s3 =	sld [smem:$0x3FFE];
	_ =	sdelay $0x1  }
0x8a: {  	s1 =	srdreg.scid  }
0x8b: {  	s0 =	sand.u32 $0x1, s1  }
0x8c: {  	s17 =	sshll.u32 s0, $0xA;
	s2 =	sadd.s32 s3, s2  }
0x8d: {  	s2 =	sadd.s32 s2, s17  }
0x8e: {  	[smem:$0x3FBC] =	sst s2  }
0x8f: {  	_ = 	snop  }
0x90: {  	s2 =	sld [smem:$0x3FC6]  }
0x91: {  	s18 =	sld [smem:$0x3FC5]  }
0x92: {  	s4 =	sld [smem:$0x3FD0];
	(tm) =	ssettm $0x1  }
0x93: {  	s5 =	sld [smem:$0x3FFB];
	_ =	sdelay $0x3  }
0x94: {  	_ =	strace s5  }
0x95: {  	s5 =	sld [smem:$0x3FFC];
	_ =	sdelay $0x3  }
0x96: {  	_ =	strace s5  }
0x97: {  	s5 =	sld [smem:$0x3FFD];
	_ =	sdelay $0x3  }
0x98: {  	_ =	strace s5  }
0x99: {  	_ =	strace $0x8FFFFFFF  }
0x9a: {  	s19 =	sld [smem:$0x3FDB];
	_ =	sdelay $0x1  }
0x9b: {  	s6 =	simm.s32 $_scs_section_size  }
0x9c: {  	s7 =	simm.s32 $_size__tile_overlayer_lowered;
	s8 =	simm.s32 $_tile_overlayer_lowered  }
0x9d: {  	s22 =	simm.s32 $0x1BFF;
	s21 =	sshll.u32 s8, $0x1;
	s5 =	sadd.s32 s6, s19  }
0x9e: {  	s9 =	simm.s32 $0x0;
	s20 =	sshll.u32 s7, $0x1;
	s7 =	sadd.s32 s21, s5  }
0x9f: {  	[timem:s9], [sflag:s22] =	dma.local [hbm:s7], s20  }
0xa0: {  	_ =	swait.ge [sflag:s22], s20  }
0xa1: {  	s6 =	ssub.s32 $0x0, s20;
	[sflag:s22] =	ssyncset.done $0x0  }
0xa2: {  	[sflag:s22] =	ssyncadd.s32 s6;
	_ =	sdelay $0x1  }
0xa3: {  	s23 =	simm.s32 $0x1B8B  }
0xa4: {  	_ =	swait.ge [sflag:s23], $0x1  }
0xa5: {  	[sflag:s23] =	ssyncset.done $0x0  }
0xa6: {  	s25 =	simm.s32 $0x1B8E;
	s24 =	sld [smem:$0x3FFE];
	[sflag:s23] =	ssyncadd.s32 $0xFFFFFFFF  }
0xa7: {  	s26 =	simm.s32 $execute0_lowered;
	[smem:$0x3FD2] =	sst s25  }
0xa8: {  	s7 =	sshll.u32 s26, $0x1;
	_ =	strace $0x80000046;
	[dreg:$0x1] =	wrdreg $0xFFFFFFFF  }
0xa9: {  	s28 =	simm.s32 $_size_execute0_lowered;
	s5 =	sadd.s32 s5, s7;
	[dreg:$0x0] =	wrdreg $0x0  }
0xaa: {  	s7 =	sshll.u32 s28, $0x1;
	[dreg:$0x2] =	wrdreg s5  }
0xab: {  	[dreg:$0x3] =	wrdreg s7  }
0xac: {  	[dreg:$0x4] =	wrdreg $0xC0  }
0xad: {  	_ =	task [dreg:s9], $0x5FFFF  }
0xae: {  	[dreg:$0x1] =	wrdreg $0xFFFFFFFF  }
0xaf: {  	[dreg:$0x0] =	wrdreg $0x60  }
0xb0: {  	[dreg:$0x2] =	wrdreg s4  }
0xb1: {  	[dreg:$0x3] =	wrdreg s24  }
0xb2: {  	[dreg:$0x4] =	wrdreg s2  }
0xb3: {  	[dreg:$0x5] =	wrdreg s18  }
0xb4: {  	[dreg:$0x6] =	wrdreg $0x0  }
0xb5: {  	[dreg:$0x7] =	wrdreg $0x9  }
0xb6: {  	_ =	task.clear_ibuf [dreg:s9], $0x8FFFF;
	_ =	strace $0x90000046  }
0xb7: {  	s29 =	simm.s32 $0x9;
	_ =	strace $0x80000048  }
0xb8: {  	_ =	swait.ge [sflag:s29], $0x1  }
0xb9: {  	[sflag:s29] =	ssyncadd.s32 $0xFFFFFFFF  }
0xba: {  	_ =	strace $0x90000048  }
0xbb: {  	_ =	sfence  }
0xbc: {  	s30 =	sld [smem:$0x0];
	_ =	sdelay $0x2  }
0xbd: {  	s31 =	sshll.u32 s1, $0xD;
	s1 =	sshrl.u32 s1, $0x2  }
0xbe: {  	s3 =	sand.u32 $0x4000, s31;
	s1 =	sadd.s32 s1, s30  }
0xbf: {  	s0 =	sor.u32 s3, s0;
	s1 =	sshll.u32 s1, $0x11  }
0xc0: {  	s0 =	sor.u32 s1, s0  }
0xc1: {  	s0 =	sadd.s32 $0x8F2B, s0  }
0xc2: {  	[sflag:s0] =	ssyncadd.remote.s32 $0x1  }
0xc3: {  	_ =	sfence.sel $0xFFFF  }
0xc4: {  	[dreg:$0x0] =	wrdreg $0xFFFFFFFF;
	(pc) =	sbr.abs _section_cstart, $3  }
0xc5: {  	[dreg:$0x1] =	wrdreg $0xFFFFFFFF  }
0xc6: {  	_ =	task.clear_ibuf [dreg:s9], $0x2FFFF;
	_ =	strace $0x9FFFFFFF  }
0xc7: {  	(tm) =	ssettm $0x7FFFFFFF  }
tec
execute0_lowered:
.L_overlay_start_1:
0x0: {  	(tag) =	ssettag $0x1  }
0x1: {  	s1 =	rddreg [dreg:$0x0]  }
0x2: {  	s9 =	rddreg [dreg:$0x1]  }
0x3: {  	s2 =	rddreg [dreg:$0x2]  }
0x4: {  	s4 =	rddreg [dreg:$0x3]  }
0x5: {  	s5 =	rddreg [dreg:$0x4]  }
0x6: {  	s0 =	rddreg [dreg:$0x5];
	s6 =	simm.s32 $0x0;
	s3 =	stileid.u32  }
0x7: {  	s7 =	srdreg.scid;
	s17 =	simm.s32 $0x14080;
	s18 =	simm.s32 $0x19100  }
0x8: {  	s19 =	simm.s32 $0x50;
	s20 =	simm.s32 $0x14100;
	s21 =	simm.s32 $0x1  }
0x9: {  	s22 =	simm.s32 $0x16900;
	[smem:$0x7FF] =	sst s6;
	s10 =	smul.u32 $0x14000, s3  }
0xa: {  	s11 =	sand.u32 $0x1, s7;
	s7 =	sadd.s32 $0x4E3E00, s9;
	s8 =	sadd.s32 $0x1E00, s9  }
0xb: {  	s14 =	smul.u32 $0x50000, s3;
	s30 =	sshll.u32 s3, $0x6;
	s31 =	sshll.u32 s3, $0x1  }
0xc: {  	_ =	strace $0x80000047;
	s12 =	smul.u32 $0x140000, s11;
	s28 =	ssub.s32 $0x2, s11  }
0xd: {  	s11 =	sor.u32 s11, s31;
	s13 =	sshrl.u32 s10, $0x3;
	s15 =	sshrl.u32 s28, $0x1  }
0xe: {  	s29 =	sshrl.u32 s14, $0x2;
	s11 =	smul.u32 $0x2710, s11;
	s10 =	sadd.s32 s10, s12  }
0xf: {  	s13 =	sadd.s32 s13, s9;
	s14 =	sadd.s32 s29, s5;
	s10 =	sshrl.u32 s10, $0x3  }
0x10: {  	s15 =	ssub.s32 s28, s15;
	s14 =	sshrl.u32 s14, $0x3;
	s16 =	sadd.s32 s10, s9  }
0x11: {  	s9 =	sadd.s32 $0xBC00, s13;
	s10 =	sor.u32 $0x1C02, s30;
	s13 =	smax.u32 s15, $0x1  }
0x12: {  	s15 =	simm.s32 $0x2;
	s12 =	sadd.s32 $0x33C00, s16;
	s16 =	simm.s32 $0x14000  }
.LBB2_1:
0x13: {  	[spmem:s14], [sflag:s10] =	dma.local [hbm:s9], $0x2800  }
0x14: {  	_ =	swait.ge [sflag:s15], $0x2800  }
0x15: {  	[sflag:s15] =	ssyncset.done $0x0  }
0x16: {  	[sflag:s15] =	ssyncadd.s32 $0xFFFFD800  }
0x17: {  	s23 =	simm.s32 $0x0;
	[bflag:$0x0] =	sbarrier.arrive $0xFFFF  }
.LBB2_2:
0x18: {  	s24 =	smul.u32 $0x50, s23;
	_ =	sdelay $0x1  }
0x19: {  	s24 =	sadd.s32 s11, s24  }
0x1a: {  	s25 =	sshrl.u32 s24, $0x3  }
0x1b: {  	s28 =	simm.s32 $0x0;
	s26 =	sadd.s32 s4, s25  }
0x1c: {  	[tilespmem:s16], [sflag:$0x2] =	stream.linear.gather [hbm4b:s26+s28], $0x50, $0x38;
	[tilespmem:$0x19180] =	vst v63  }
0x1d: {  	_ =	swait.ge [sflag:s15], $0x50  }
0x1e: {  	[sflag:s15] =	ssyncset.done $0x0  }
0x1f: {  	s30 =	sadd.s32 s2, s25;
	[sflag:s15] =	ssyncadd.s32 $0xFFFFFFB0  }
0x20: {  	[tilespmem:s17], [sflag:$0x2] =	stream.linear.gather [hbm4b:s30+s28], $0x50, $0x38;
	[tilespmem:$0x19180] =	vst v63  }
0x21: {  	_ =	swait.ge [sflag:s15], $0x50  }
0x22: {  	[sflag:s15] =	ssyncset.done $0x0  }
0x23: {  	s25 =	sadd.s32 s8, s25;
	[sflag:s15] =	ssyncadd.s32 $0xFFFFFFB0  }
0x24: {  	[tilespmem:s18], [sflag:$0x2] =	stream.linear.gather [hbm4b:s25+s28], $0x50, $0x38;
	[tilespmem:$0x19180] =	vst v63  }
0x25: {  	_ =	swait.ge [sflag:s15], $0x50  }
0x26: {  	[sflag:s15] =	ssyncset.done $0x0  }
0x27: {  	[sflag:s15] =	ssyncadd.s32 $0xFFFFFFB0  }
0x28: {  	[tilespmem:s20], [sflag:$0x1] =	stream.indirect.gather [hbm4b:s1+s19], $0x80, s16, s19, $0xb8;
	[tilespmem:$0x19180] =	vst v63  }
0x29: {  	_ =	swait.ge [sflag:s21], $0x2800  }
0x2a: {  	s24 =	sshll.u32 s24, $0x4;
	[sflag:s21] =	ssyncset.done $0x0  }
0x2b: {  	v0 =	vmov s28;
	s24 =	sadd.s32 s7, s24;
	[sflag:s21] =	ssyncadd.s32 $0xFFFFD800  }
0x2c: {  	v0 =	vand.u32 $0xFFFFFFFC, v0;
	[tilespmem:s22], [sflag:$0x2] =	stream.linear.gather [hbm4b:s24+s28], $0x2800, $0x38;
	[tilespmem:$0x19180] =	vst v63  }
0x2d: {  	v0 =	vbroadcast v0, $0x0;
	_ =	swait.ge [sflag:s15], $0x2800  }
0x2e: {  	[sflag:s15] =	ssyncset.done $0x0  }
0x2f: {  	s25 =	simm.s32 $0x14200;
	[sflag:s15] =	ssyncadd.s32 $0xFFFFD800  }
0x30: {  	s24 =	simm.s32 $0x16A00;
	v1 =	vld [tilespmem:s25+$0xFFFFFF00]  }
0x31: {  	v2 =	vld [tilespmem:s24+$0xFFFFFF00];
	_ =	sdelay $0x1  }
0x32: {  	v0 =	vld.idx.msk [tilespmem:v0+s18+$0x0], $0xffff;
	_ =	sdelay $0x2  }
0x33: {  	v1 =	vmul.f32 v2, v1;
	_ =	sdelay $0x1  }
0x34: {  	v1 =	vmul.f32 v1, v0;
	_ =	sdelay $0x1  }
0x35: {  	[tilespmem:s25+$0xFFFFFF00] =	vst v1;
	v1 =	vld [tilespmem:s25+$0xFFFFFF10]  }
0x36: {  	v2 =	vld [tilespmem:s24+$0xFFFFFF10];
	_ =	sdelay $0x4  }
0x37: {  	v1 =	vmul.f32 v2, v1;
	_ =	sdelay $0x1  }
0x38: {  	v1 =	vmul.f32 v1, v0;
	_ =	sdelay $0x1  }
0x39: {  	[tilespmem:s25+$0xFFFFFF10] =	vst v1;
	v1 =	vld [tilespmem:s25+$0xFFFFFF20]  }
0x3a: {  	v2 =	vld [tilespmem:s24+$0xFFFFFF20];
	_ =	sdelay $0x4  }
0x3b: {  	v1 =	vmul.f32 v2, v1;
	_ =	sdelay $0x1  }
0x3c: {  	v1 =	vmul.f32 v1, v0;
	_ =	sdelay $0x1  }
0x3d: {  	[tilespmem:s25+$0xFFFFFF20] =	vst v1;
	v1 =	vld [tilespmem:s25+$0xFFFFFF30]  }
0x3e: {  	v2 =	vld [tilespmem:s24+$0xFFFFFF30];
	_ =	sdelay $0x4  }
0x3f: {  	v1 =	vmul.f32 v2, v1;
	_ =	sdelay $0x1  }
0x40: {  	v1 =	vmul.f32 v1, v0;
	_ =	sdelay $0x1  }
0x41: {  	[tilespmem:s25+$0xFFFFFF30] =	vst v1;
	v1 =	vld [tilespmem:s25+$0xFFFFFF40]  }
0x42: {  	v2 =	vld [tilespmem:s24+$0xFFFFFF40];
	_ =	sdelay $0x4  }
0x43: {  	v1 =	vmul.f32 v2, v1;
	_ =	sdelay $0x1  }
0x44: {  	v1 =	vmul.f32 v1, v0;
	_ =	sdelay $0x1  }
0x45: {  	[tilespmem:s25+$0xFFFFFF40] =	vst v1;
	v1 =	vld [tilespmem:s25+$0xFFFFFF50]  }
0x46: {  	v2 =	vld [tilespmem:s24+$0xFFFFFF50];
	_ =	sdelay $0x4  }
0x47: {  	v1 =	vmul.f32 v2, v1;
	_ =	sdelay $0x1  }
0x48: {  	v1 =	vmul.f32 v1, v0;
	_ =	sdelay $0x1  }
0x49: {  	[tilespmem:s25+$0xFFFFFF50] =	vst v1;
	v1 =	vld [tilespmem:s25+$0xFFFFFF60]  }
0x4a: {  	v2 =	vld [tilespmem:s24+$0xFFFFFF60];
	_ =	sdelay $0x4  }
0x4b: {  	v1 =	vmul.f32 v2, v1;
	_ =	sdelay $0x1  }
0x4c: {  	v1 =	vmul.f32 v1, v0;
	_ =	sdelay $0x1  }
0x4d: {  	[tilespmem:s25+$0xFFFFFF60] =	vst v1;
	v1 =	vld [tilespmem:s25+$0xFFFFFF70]  }
0x4e: {  	v2 =	vld [tilespmem:s24+$0xFFFFFF70];
	_ =	sdelay $0x2  }
0x4f: {  	s31 =	simm.s32 $0x1  }
0x50: {  	v3 =	vmov s31  }
0x51: {  	v1 =	vmul.f32 v2, v1;
	v2 =	vand.u32 $0xFFFFFFFD, v3  }
0x52: {  	v2 =	vbroadcast v2, $0x0  }
0x53: {  	v0 =	vmul.f32 v1, v0;
	_ =	sdelay $0x1  }
0x54: {  	[tilespmem:s25+$0xFFFFFF70] =	vst v0;
	v0 =	vld [tilespmem:s25+$0xFFFFFF80]  }
0x55: {  	v1 =	vld [tilespmem:s24+$0xFFFFFF80];
	_ =	sdelay $0x1  }
0x56: {  	v2 =	vld.idx.msk [tilespmem:v2+s18+$0x0], $0xffff;
	_ =	sdelay $0x2  }
0x57: {  	v0 =	vmul.f32 v1, v0;
	_ =	sdelay $0x1  }
0x58: {  	v0 =	vmul.f32 v0, v2;
	_ =	sdelay $0x1  }
0x59: {  	[tilespmem:s25+$0xFFFFFF80] =	vst v0;
	v0 =	vld [tilespmem:s25+$0xFFFFFF90]  }
0x5a: {  	v1 =	vld [tilespmem:s24+$0xFFFFFF90];
	_ =	sdelay $0x4  }
0x5b: {  	v0 =	vmul.f32 v1, v0;
	_ =	sdelay $0x1  }
0x5c: {  	v0 =	vmul.f32 v0, v2;
	_ =	sdelay $0x1  }
0x5d: {  	[tilespmem:s25+$0xFFFFFF90] =	vst v0;
	v0 =	vld [tilespmem:s25+$0xFFFFFFA0]  }
0x5e: {  	v1 =	vld [tilespmem:s24+$0xFFFFFFA0];
	_ =	sdelay $0x4  }
0x5f: {  	v0 =	vmul.f32 v1, v0;
	_ =	sdelay $0x1  }
0x60: {  	v0 =	vmul.f32 v0, v2;
	_ =	sdelay $0x1  }
0x61: {  	[tilespmem:s25+$0xFFFFFFA0] =	vst v0;
	v0 =	vld [tilespmem:s25+$0xFFFFFFB0]  }
0x62: {  	v1 =	vld [tilespmem:s24+$0xFFFFFFB0];
	_ =	sdelay $0x4  }
0x63: {  	v0 =	vmul.f32 v1, v0;
	_ =	sdelay $0x1  }
0x64: {  	v0 =	vmul.f32 v0, v2;
	_ =	sdelay $0x1  }
0x65: {  	[tilespmem:s25+$0xFFFFFFB0] =	vst v0;
	v0 =	vld [tilespmem:s25+$0xFFFFFFC0]  }
0x66: {  	v1 =	vld [tilespmem:s24+$0xFFFFFFC0];
	_ =	sdelay $0x4  }
0x67: {  	v0 =	vmul.f32 v1, v0;
	_ =	sdelay $0x1  }
0x68: {  	v0 =	vmul.f32 v0, v2;
	_ =	sdelay $0x1  }
0x69: {  	[tilespmem:s25+$0xFFFFFFC0] =	vst v0;
	v0 =	vld [tilespmem:s25+$0xFFFFFFD0]  }
0x6a: {  	v1 =	vld [tilespmem:s24+$0xFFFFFFD0];
	_ =	sdelay $0x4  }
0x6b: {  	v0 =	vmul.f32 v1, v0;
	_ =	sdelay $0x1  }
0x6c: {  	v0 =	vmul.f32 v0, v2;
	_ =	sdelay $0x1  }
0x6d: {  	[tilespmem:s25+$0xFFFFFFD0] =	vst v0;
	v0 =	vld [tilespmem:s25+$0xFFFFFFE0]  }
0x6e: {  	v1 =	vld [tilespmem:s24+$0xFFFFFFE0];
	_ =	sdelay $0x4  }
0x6f: {  	v0 =	vmul.f32 v1, v0;
	_ =	sdelay $0x1  }
0x70: {  	v0 =	vmul.f32 v0, v2;
	_ =	sdelay $0x1  }
0x71: {  	[tilespmem:s25+$0xFFFFFFE0] =	vst v0;
	v0 =	vld [tilespmem:s25+$0xFFFFFFF0]  }
0x72: {  	v1 =	vld [tilespmem:s24+$0xFFFFFFF0];
	_ =	sdelay $0x2  }
0x73: {  	s30 =	simm.s32 $0x2  }
0x74: {  	v3 =	vmov s30  }
0x75: {  	v0 =	vmul.f32 v1, v0;
	v1 =	vand.u32 $0xFFFFFFFE, v3  }
0x76: {  	v1 =	vbroadcast v1, $0x0  }
0x77: {  	v0 =	vmul.f32 v0, v2;
	_ =	sdelay $0x1  }
0x78: {  	[tilespmem:s25+$0xFFFFFFF0] =	vst v0;
	v0 =	vld [tilespmem:s25+$0x0]  }
0x79: {  	v2 =	vld [tilespmem:s24+$0x0];
	_ =	sdelay $0x1  }
0x7a: {  	v1 =	vld.idx.msk [tilespmem:v1+s18+$0x0], $0xffff;
	_ =	sdelay $0x2  }
0x7b: {  	v0 =	vmul.f32 v2, v0;
	_ =	sdelay $0x1  }
0x7c: {  	v0 =	vmul.f32 v0, v1;
	_ =	sdelay $0x1  }
0x7d: {  	[tilespmem:s25+$0x0] =	vst v0;
	v0 =	vld [tilespmem:s25+$0x10]  }
0x7e: {  	v2 =	vld [tilespmem:s24+$0x10];
	_ =	sdelay $0x4  }
0x7f: {  	v0 =	vmul.f32 v2, v0;
	_ =	sdelay $0x1  }
0x80: {  	v0 =	vmul.f32 v0, v1;
	_ =	sdelay $0x1  }
0x81: {  	[tilespmem:s25+$0x10] =	vst v0;
	v0 =	vld [tilespmem:s25+$0x20]  }
0x82: {  	v2 =	vld [tilespmem:s24+$0x20];
	_ =	sdelay $0x4  }
0x83: {  	v0 =	vmul.f32 v2, v0;
	_ =	sdelay $0x1  }
0x84: {  	v0 =	vmul.f32 v0, v1;
	_ =	sdelay $0x1  }
0x85: {  	[tilespmem:s25+$0x20] =	vst v0;
	v0 =	vld [tilespmem:s25+$0x30]  }
0x86: {  	v2 =	vld [tilespmem:s24+$0x30];
	_ =	sdelay $0x4  }
0x87: {  	v0 =	vmul.f32 v2, v0;
	_ =	sdelay $0x1  }
0x88: {  	v0 =	vmul.f32 v0, v1;
	_ =	sdelay $0x1  }
0x89: {  	[tilespmem:s25+$0x30] =	vst v0;
	v0 =	vld [tilespmem:s25+$0x40]  }
0x8a: {  	v2 =	vld [tilespmem:s24+$0x40];
	_ =	sdelay $0x4  }
0x8b: {  	v0 =	vmul.f32 v2, v0;
	_ =	sdelay $0x1  }
0x8c: {  	v0 =	vmul.f32 v0, v1;
	_ =	sdelay $0x1  }
0x8d: {  	[tilespmem:s25+$0x40] =	vst v0;
	v0 =	vld [tilespmem:s25+$0x50]  }
0x8e: {  	v2 =	vld [tilespmem:s24+$0x50];
	_ =	sdelay $0x4  }
0x8f: {  	v0 =	vmul.f32 v2, v0;
	_ =	sdelay $0x1  }
0x90: {  	v0 =	vmul.f32 v0, v1;
	_ =	sdelay $0x1  }
0x91: {  	[tilespmem:s25+$0x50] =	vst v0;
	v0 =	vld [tilespmem:s25+$0x60]  }
0x92: {  	v2 =	vld [tilespmem:s24+$0x60];
	_ =	sdelay $0x4  }
0x93: {  	v0 =	vmul.f32 v2, v0;
	_ =	sdelay $0x1  }
0x94: {  	v0 =	vmul.f32 v0, v1;
	_ =	sdelay $0x1  }
0x95: {  	[tilespmem:s25+$0x60] =	vst v0;
	v0 =	vld [tilespmem:s25+$0x70]  }
0x96: {  	v2 =	vld [tilespmem:s24+$0x70];
	_ =	sdelay $0x4  }
0x97: {  	v0 =	vmul.f32 v2, v0  }
0x98: {  	s31 =	simm.s32 $0x3  }
0x99: {  	v0 =	vmul.f32 v0, v1;
	v1 =	vmov s31;
	_ =	sdelay $0x1  }
0x9a: {  	[tilespmem:s25+$0x70] =	vst v0;
	v0 =	vld [tilespmem:s25+$0x80]  }
0x9b: {  	v2 =	vld [tilespmem:s24+$0x80];
	_ =	sdelay $0x1  }
0x9c: {  	v1 =	vld.idx.msk [tilespmem:v1+s18+$0x0], $0xffff;
	_ =	sdelay $0x2  }
0x9d: {  	v0 =	vmul.f32 v2, v0;
	_ =	sdelay $0x1  }
0x9e: {  	v0 =	vmul.f32 v0, v1;
	_ =	sdelay $0x1  }
0x9f: {  	[tilespmem:s25+$0x80] =	vst v0;
	v0 =	vld [tilespmem:s25+$0x90]  }
0xa0: {  	v2 =	vld [tilespmem:s24+$0x90];
	_ =	sdelay $0x4  }
0xa1: {  	v0 =	vmul.f32 v2, v0;
	_ =	sdelay $0x1  }
0xa2: {  	v0 =	vmul.f32 v0, v1;
	_ =	sdelay $0x1  }
0xa3: {  	[tilespmem:s25+$0x90] =	vst v0;
	v0 =	vld [tilespmem:s25+$0xA0]  }
0xa4: {  	v2 =	vld [tilespmem:s24+$0xA0];
	_ =	sdelay $0x4  }
0xa5: {  	v0 =	vmul.f32 v2, v0;
	_ =	sdelay $0x1  }
0xa6: {  	v0 =	vmul.f32 v0, v1;
	_ =	sdelay $0x1  }
0xa7: {  	[tilespmem:s25+$0xA0] =	vst v0;
	v0 =	vld [tilespmem:s25+$0xB0]  }
0xa8: {  	v2 =	vld [tilespmem:s24+$0xB0];
	_ =	sdelay $0x4  }
0xa9: {  	v0 =	vmul.f32 v2, v0;
	_ =	sdelay $0x1  }
0xaa: {  	v0 =	vmul.f32 v0, v1;
	_ =	sdelay $0x1  }
0xab: {  	[tilespmem:s25+$0xB0] =	vst v0;
	v0 =	vld [tilespmem:s25+$0xC0]  }
0xac: {  	v2 =	vld [tilespmem:s24+$0xC0];
	_ =	sdelay $0x4  }
0xad: {  	v0 =	vmul.f32 v2, v0;
	_ =	sdelay $0x1  }
0xae: {  	v0 =	vmul.f32 v0, v1;
	_ =	sdelay $0x1  }
0xaf: {  	[tilespmem:s25+$0xC0] =	vst v0;
	v0 =	vld [tilespmem:s25+$0xD0]  }
0xb0: {  	v2 =	vld [tilespmem:s24+$0xD0];
	_ =	sdelay $0x4  }
0xb1: {  	v0 =	vmul.f32 v2, v0;
	_ =	sdelay $0x1  }
0xb2: {  	v0 =	vmul.f32 v0, v1;
	_ =	sdelay $0x1  }
0xb3: {  	[tilespmem:s25+$0xD0] =	vst v0;
	v0 =	vld [tilespmem:s25+$0xE0]  }
0xb4: {  	v2 =	vld [tilespmem:s24+$0xE0];
	_ =	sdelay $0x4  }
0xb5: {  	v0 =	vmul.f32 v2, v0;
	_ =	sdelay $0x1  }
0xb6: {  	v0 =	vmul.f32 v0, v1;
	_ =	sdelay $0x1  }
0xb7: {  	[tilespmem:s25+$0xE0] =	vst v0;
	v0 =	vld [tilespmem:s25+$0xF0]  }
0xb8: {  	v2 =	vld [tilespmem:s24+$0xF0];
	_ =	sdelay $0x2  }
0xb9: {  	s28 =	simm.s32 $0x4  }
0xba: {  	v3 =	vmov s28  }
0xbb: {  	v2 =	vmul.f32 v2, v0;
	v0 =	vand.u32 $0xFFFFFFFC, v3  }
0xbc: {  	v0 =	vbroadcast v0, $0x0;
	_ =	sdelay $0x1  }
0xbd: {  	s29 =	simm.s32 $0x8;
	s26 =	simm.s32 $0x14400;
	v1 =	vmul.f32 v2, v1  }
.LBB2_3:
0xbe: {  	p0 =	slt.u32 s29, $0x4C;
	s24 =	sadd.s32 $0x200, s24  }
0xbf: {  	v2 =	vld [tilespmem:s26+$0xFFFFFF00];
	[tilespmem:s25+$0xF0] =	vst v1;
	s30 =	smov.u32 s29;
	s29 =	sadd.s32 $0x4, s29;
	s25 =	smov.u32 s26  }
0xc0: {  	v1 =	vld [tilespmem:s24+$0xFFFFFF00]  }
0xc1: {  	v0 =	vld.idx.msk [tilespmem:v0+s18+$0x0], $0xffff;
	_ =	sdelay $0x3  }
0xc2: {  	v1 =	vmul.f32 v1, v2;
	_ =	sdelay $0x1  }
0xc3: {  	v1 =	vmul.f32 v1, v0;
	_ =	sdelay $0x1  }
0xc4: {  	[tilespmem:s26+$0xFFFFFF00] =	vst v1;
	v1 =	vld [tilespmem:s26+$0xFFFFFF10]  }
0xc5: {  	v2 =	vld [tilespmem:s24+$0xFFFFFF10];
	_ =	sdelay $0x4  }
0xc6: {  	v1 =	vmul.f32 v2, v1;
	_ =	sdelay $0x1  }
0xc7: {  	v1 =	vmul.f32 v1, v0;
	_ =	sdelay $0x1  }
0xc8: {  	[tilespmem:s26+$0xFFFFFF10] =	vst v1;
	v1 =	vld [tilespmem:s26+$0xFFFFFF20]  }
0xc9: {  	v2 =	vld [tilespmem:s24+$0xFFFFFF20];
	_ =	sdelay $0x4  }
0xca: {  	v1 =	vmul.f32 v2, v1;
	_ =	sdelay $0x1  }
0xcb: {  	v1 =	vmul.f32 v1, v0;
	_ =	sdelay $0x1  }
0xcc: {  	[tilespmem:s26+$0xFFFFFF20] =	vst v1;
	v1 =	vld [tilespmem:s26+$0xFFFFFF30]  }
0xcd: {  	v2 =	vld [tilespmem:s24+$0xFFFFFF30];
	_ =	sdelay $0x4  }
0xce: {  	v1 =	vmul.f32 v2, v1;
	_ =	sdelay $0x1  }
0xcf: {  	v1 =	vmul.f32 v1, v0;
	_ =	sdelay $0x1  }
0xd0: {  	[tilespmem:s26+$0xFFFFFF30] =	vst v1;
	v1 =	vld [tilespmem:s26+$0xFFFFFF40]  }
0xd1: {  	v2 =	vld [tilespmem:s24+$0xFFFFFF40];
	_ =	sdelay $0x4  }
0xd2: {  	v1 =	vmul.f32 v2, v1;
	_ =	sdelay $0x1  }
0xd3: {  	v1 =	vmul.f32 v1, v0;
	_ =	sdelay $0x1  }
0xd4: {  	[tilespmem:s26+$0xFFFFFF40] =	vst v1;
	v1 =	vld [tilespmem:s26+$0xFFFFFF50]  }
0xd5: {  	v2 =	vld [tilespmem:s24+$0xFFFFFF50];
	_ =	sdelay $0x4  }
0xd6: {  	v1 =	vmul.f32 v2, v1;
	_ =	sdelay $0x1  }
0xd7: {  	v1 =	vmul.f32 v1, v0;
	_ =	sdelay $0x1  }
0xd8: {  	[tilespmem:s26+$0xFFFFFF50] =	vst v1;
	v1 =	vld [tilespmem:s26+$0xFFFFFF60]  }
0xd9: {  	v2 =	vld [tilespmem:s24+$0xFFFFFF60];
	_ =	sdelay $0x4  }
0xda: {  	v1 =	vmul.f32 v2, v1;
	_ =	sdelay $0x1  }
0xdb: {  	v1 =	vmul.f32 v1, v0;
	_ =	sdelay $0x1  }
0xdc: {  	[tilespmem:s26+$0xFFFFFF60] =	vst v1;
	v1 =	vld [tilespmem:s26+$0xFFFFFF70]  }
0xdd: {  	v2 =	vld [tilespmem:s24+$0xFFFFFF70];
	_ =	sdelay $0x1  }
0xde: {  	s31 =	sadd.s32 $0x1, s28  }
0xdf: {  	v3 =	vmov s31  }
0xe0: {  	v3 =	vand.u32 $0xFFFFFFFD, v3  }
0xe1: {  	v1 =	vmul.f32 v2, v1;
	v2 =	vbroadcast v3, $0x0;
	_ =	sdelay $0x1  }
0xe2: {  	v0 =	vmul.f32 v1, v0;
	_ =	sdelay $0x1  }
0xe3: {  	[tilespmem:s26+$0xFFFFFF70] =	vst v0;
	v0 =	vld [tilespmem:s26+$0xFFFFFF80]  }
0xe4: {  	v1 =	vld [tilespmem:s24+$0xFFFFFF80]  }
0xe5: {  	v2 =	vld.idx.msk [tilespmem:v2+s18+$0x0], $0xffff;
	_ =	sdelay $0x3  }
0xe6: {  	v0 =	vmul.f32 v1, v0;
	_ =	sdelay $0x1  }
0xe7: {  	v0 =	vmul.f32 v0, v2;
	_ =	sdelay $0x1  }
0xe8: {  	[tilespmem:s26+$0xFFFFFF80] =	vst v0;
	v0 =	vld [tilespmem:s26+$0xFFFFFF90]  }
0xe9: {  	v1 =	vld [tilespmem:s24+$0xFFFFFF90];
	_ =	sdelay $0x4  }
0xea: {  	v0 =	vmul.f32 v1, v0;
	_ =	sdelay $0x1  }
0xeb: {  	v0 =	vmul.f32 v0, v2;
	_ =	sdelay $0x1  }
0xec: {  	[tilespmem:s26+$0xFFFFFF90] =	vst v0;
	v0 =	vld [tilespmem:s26+$0xFFFFFFA0]  }
0xed: {  	v1 =	vld [tilespmem:s24+$0xFFFFFFA0];
	_ =	sdelay $0x4  }
0xee: {  	v0 =	vmul.f32 v1, v0;
	_ =	sdelay $0x1  }
0xef: {  	v0 =	vmul.f32 v0, v2;
	_ =	sdelay $0x1  }
0xf0: {  	[tilespmem:s26+$0xFFFFFFA0] =	vst v0;
	v0 =	vld [tilespmem:s26+$0xFFFFFFB0]  }
0xf1: {  	v1 =	vld [tilespmem:s24+$0xFFFFFFB0];
	_ =	sdelay $0x4  }
0xf2: {  	v0 =	vmul.f32 v1, v0;
	_ =	sdelay $0x1  }
0xf3: {  	v0 =	vmul.f32 v0, v2;
	_ =	sdelay $0x1  }
0xf4: {  	[tilespmem:s26+$0xFFFFFFB0] =	vst v0;
	v0 =	vld [tilespmem:s26+$0xFFFFFFC0]  }
0xf5: {  	v1 =	vld [tilespmem:s24+$0xFFFFFFC0];
	_ =	sdelay $0x4  }
0xf6: {  	v0 =	vmul.f32 v1, v0;
	_ =	sdelay $0x1  }
0xf7: {  	v0 =	vmul.f32 v0, v2;
	_ =	sdelay $0x1  }
0xf8: {  	[tilespmem:s26+$0xFFFFFFC0] =	vst v0;
	v0 =	vld [tilespmem:s26+$0xFFFFFFD0]  }
0xf9: {  	v1 =	vld [tilespmem:s24+$0xFFFFFFD0];
	_ =	sdelay $0x4  }
0xfa: {  	v0 =	vmul.f32 v1, v0;
	_ =	sdelay $0x1  }
0xfb: {  	v0 =	vmul.f32 v0, v2;
	_ =	sdelay $0x1  }
0xfc: {  	[tilespmem:s26+$0xFFFFFFD0] =	vst v0;
	v0 =	vld [tilespmem:s26+$0xFFFFFFE0]  }
0xfd: {  	v1 =	vld [tilespmem:s24+$0xFFFFFFE0];
	_ =	sdelay $0x4  }
0xfe: {  	v0 =	vmul.f32 v1, v0;
	_ =	sdelay $0x1  }
0xff: {  	v0 =	vmul.f32 v0, v2;
	_ =	sdelay $0x1  }
0x100: {  	[tilespmem:s26+$0xFFFFFFE0] =	vst v0;
	v0 =	vld [tilespmem:s26+$0xFFFFFFF0]  }
0x101: {  	v1 =	vld [tilespmem:s24+$0xFFFFFFF0];
	_ =	sdelay $0x1  }
0x102: {  	s31 =	sadd.s32 $0x2, s28  }
0x103: {  	v3 =	vmov s31  }
0x104: {  	v3 =	vand.u32 $0xFFFFFFFE, v3  }
0x105: {  	v0 =	vmul.f32 v1, v0;
	v1 =	vbroadcast v3, $0x0;
	_ =	sdelay $0x1  }
0x106: {  	v0 =	vmul.f32 v0, v2;
	_ =	sdelay $0x1  }
0x107: {  	[tilespmem:s26+$0xFFFFFFF0] =	vst v0;
	v0 =	vld [tilespmem:s26+$0x0]  }
0x108: {  	v2 =	vld [tilespmem:s24+$0x0]  }
0x109: {  	v1 =	vld.idx.msk [tilespmem:v1+s18+$0x0], $0xffff;
	_ =	sdelay $0x3  }
0x10a: {  	v0 =	vmul.f32 v2, v0;
	_ =	sdelay $0x1  }
0x10b: {  	v0 =	vmul.f32 v0, v1;
	_ =	sdelay $0x1  }
0x10c: {  	[tilespmem:s26+$0x0] =	vst v0;
	v0 =	vld [tilespmem:s26+$0x10]  }
0x10d: {  	v2 =	vld [tilespmem:s24+$0x10];
	_ =	sdelay $0x4  }
0x10e: {  	v0 =	vmul.f32 v2, v0;
	_ =	sdelay $0x1  }
0x10f: {  	v0 =	vmul.f32 v0, v1;
	_ =	sdelay $0x1  }
0x110: {  	[tilespmem:s26+$0x10] =	vst v0;
	v0 =	vld [tilespmem:s26+$0x20]  }
0x111: {  	v2 =	vld [tilespmem:s24+$0x20];
	_ =	sdelay $0x4  }
0x112: {  	v0 =	vmul.f32 v2, v0;
	_ =	sdelay $0x1  }
0x113: {  	v0 =	vmul.f32 v0, v1;
	_ =	sdelay $0x1  }
0x114: {  	[tilespmem:s26+$0x20] =	vst v0;
	v0 =	vld [tilespmem:s26+$0x30]  }
0x115: {  	v2 =	vld [tilespmem:s24+$0x30];
	_ =	sdelay $0x4  }
0x116: {  	v0 =	vmul.f32 v2, v0;
	_ =	sdelay $0x1  }
0x117: {  	v0 =	vmul.f32 v0, v1;
	_ =	sdelay $0x1  }
0x118: {  	[tilespmem:s26+$0x30] =	vst v0;
	v0 =	vld [tilespmem:s26+$0x40]  }
0x119: {  	v2 =	vld [tilespmem:s24+$0x40];
	_ =	sdelay $0x4  }
0x11a: {  	v0 =	vmul.f32 v2, v0;
	_ =	sdelay $0x1  }
0x11b: {  	v0 =	vmul.f32 v0, v1;
	_ =	sdelay $0x1  }
0x11c: {  	[tilespmem:s26+$0x40] =	vst v0;
	v0 =	vld [tilespmem:s26+$0x50]  }
0x11d: {  	v2 =	vld [tilespmem:s24+$0x50];
	_ =	sdelay $0x4  }
0x11e: {  	v0 =	vmul.f32 v2, v0;
	_ =	sdelay $0x1  }
0x11f: {  	v0 =	vmul.f32 v0, v1;
	_ =	sdelay $0x1  }
0x120: {  	[tilespmem:s26+$0x50] =	vst v0;
	v0 =	vld [tilespmem:s26+$0x60]  }
0x121: {  	v2 =	vld [tilespmem:s24+$0x60];
	_ =	sdelay $0x4  }
0x122: {  	v0 =	vmul.f32 v2, v0;
	_ =	sdelay $0x1  }
0x123: {  	v0 =	vmul.f32 v0, v1;
	_ =	sdelay $0x1  }
0x124: {  	[tilespmem:s26+$0x60] =	vst v0;
	v0 =	vld [tilespmem:s26+$0x70]  }
0x125: {  	v2 =	vld [tilespmem:s24+$0x70];
	_ =	sdelay $0x4  }
0x126: {  	s31 =	sadd.s32 $0x3, s28;
	s28 =	smov.u32 s30;
	v0 =	vmul.f32 v2, v0  }
0x127: {  	v2 =	vmov s31  }
0x128: {  	v0 =	vmul.f32 v0, v1;
	_ =	sdelay $0x1  }
0x129: {  	[tilespmem:s26+$0x70] =	vst v0;
	v0 =	vld [tilespmem:s26+$0x80]  }
0x12a: {  	v1 =	vld [tilespmem:s24+$0x80]  }
0x12b: {  	v2 =	vld.idx.msk [tilespmem:v2+s18+$0x0], $0xffff;
	_ =	sdelay $0x3  }
0x12c: {  	v0 =	vmul.f32 v1, v0;
	_ =	sdelay $0x1  }
0x12d: {  	v0 =	vmul.f32 v0, v2;
	_ =	sdelay $0x1  }
0x12e: {  	[tilespmem:s26+$0x80] =	vst v0;
	v0 =	vld [tilespmem:s26+$0x90]  }
0x12f: {  	v1 =	vld [tilespmem:s24+$0x90];
	_ =	sdelay $0x4  }
0x130: {  	v0 =	vmul.f32 v1, v0;
	_ =	sdelay $0x1  }
0x131: {  	v0 =	vmul.f32 v0, v2;
	_ =	sdelay $0x1  }
0x132: {  	[tilespmem:s26+$0x90] =	vst v0;
	v0 =	vld [tilespmem:s26+$0xA0]  }
0x133: {  	v1 =	vld [tilespmem:s24+$0xA0];
	_ =	sdelay $0x4  }
0x134: {  	v0 =	vmul.f32 v1, v0;
	_ =	sdelay $0x1  }
0x135: {  	v0 =	vmul.f32 v0, v2;
	_ =	sdelay $0x1  }
0x136: {  	[tilespmem:s26+$0xA0] =	vst v0;
	v0 =	vld [tilespmem:s26+$0xB0]  }
0x137: {  	v1 =	vld [tilespmem:s24+$0xB0];
	_ =	sdelay $0x4  }
0x138: {  	v0 =	vmul.f32 v1, v0;
	_ =	sdelay $0x1  }
0x139: {  	v0 =	vmul.f32 v0, v2;
	_ =	sdelay $0x1  }
0x13a: {  	[tilespmem:s26+$0xB0] =	vst v0;
	v0 =	vld [tilespmem:s26+$0xC0]  }
0x13b: {  	v1 =	vld [tilespmem:s24+$0xC0];
	_ =	sdelay $0x4  }
0x13c: {  	v0 =	vmul.f32 v1, v0;
	_ =	sdelay $0x1  }
0x13d: {  	v0 =	vmul.f32 v0, v2;
	_ =	sdelay $0x1  }
0x13e: {  	[tilespmem:s26+$0xC0] =	vst v0;
	v0 =	vld [tilespmem:s26+$0xD0]  }
0x13f: {  	v1 =	vld [tilespmem:s24+$0xD0];
	_ =	sdelay $0x4  }
0x140: {  	v0 =	vmul.f32 v1, v0;
	_ =	sdelay $0x1  }
0x141: {  	v0 =	vmul.f32 v0, v2;
	_ =	sdelay $0x1  }
0x142: {  	[tilespmem:s26+$0xD0] =	vst v0;
	v0 =	vld [tilespmem:s26+$0xE0]  }
0x143: {  	v1 =	vld [tilespmem:s24+$0xE0];
	_ =	sdelay $0x4  }
0x144: {  	v0 =	vmul.f32 v1, v0;
	_ =	sdelay $0x1  }
0x145: {  	v0 =	vmul.f32 v0, v2;
	_ =	sdelay $0x1  }
0x146: {  	[tilespmem:s26+$0xE0] =	vst v0;
	v1 =	vld [tilespmem:s26+$0xF0]  }
0x147: {  	v3 =	vld [tilespmem:s24+$0xF0];
	_ =	sdelay $0x2  }
0x148: {  	v0 =	vmov s28  }
.Ltmp0:
0x149: {  	v0 =	vand.u32 $0xFFFFFFFC, v0;
	(pc) =	sbr.rel @p0 .LBB2_3-.Ltmp0, $3  }
0x14a: {  	v0 =	vbroadcast v0, $0x0;
	v1 =	vmul.f32 v3, v1;
	_ =	sdelay $0x1  }
0x14b: {  	v1 =	vmul.f32 v1, v2  }
0x14c: {  	s26 =	sadd.s32 $0x200, s26  }
0x14d: {  	_ = 	snop  }
0x14e: {  	v2 =	vld [tilespmem:s26+$0xFFFFFF00];
	[tilespmem:s25+$0xF0] =	vst v1;
	s24 =	sadd.s32 $0x200, s24  }
0x14f: {  	v1 =	vld [tilespmem:s24+$0xFFFFFF00];
	_ =	sdelay $0x1  }
0x150: {  	v0 =	vld.idx.msk [tilespmem:v0+s18+$0x0], $0xffff;
	_ =	sdelay $0x2  }
0x151: {  	v1 =	vmul.f32 v1, v2;
	_ =	sdelay $0x1  }
0x152: {  	v1 =	vmul.f32 v1, v0;
	_ =	sdelay $0x1  }
0x153: {  	v58 =	vld [tilespmem:s26+$0xFFFFFF10];
	[tilespmem:s26+$0xFFFFFF00] =	vst v1  }
0x154: {  	v59 =	vld [tilespmem:s24+$0xFFFFFF10];
	_ =	sdelay $0x4  }
0x155: {  	v1 =	vmul.f32 v59, v58;
	_ =	sdelay $0x1  }
0x156: {  	v1 =	vmul.f32 v1, v0;
	_ =	sdelay $0x1  }
0x157: {  	v60 =	vld [tilespmem:s26+$0xFFFFFF20];
	[tilespmem:s26+$0xFFFFFF10] =	vst v1  }
0x158: {  	v61 =	vld [tilespmem:s24+$0xFFFFFF20];
	_ =	sdelay $0x4  }
0x159: {  	v1 =	vmul.f32 v61, v60;
	_ =	sdelay $0x1  }
0x15a: {  	v1 =	vmul.f32 v1, v0;
	_ =	sdelay $0x1  }
0x15b: {  	v62 =	vld [tilespmem:s26+$0xFFFFFF30];
	[tilespmem:s26+$0xFFFFFF20] =	vst v1  }
0x15c: {  	v63 =	vld [tilespmem:s24+$0xFFFFFF30];
	_ =	sdelay $0x4  }
0x15d: {  	v1 =	vmul.f32 v63, v62;
	_ =	sdelay $0x1  }
0x15e: {  	v1 =	vmul.f32 v1, v0;
	_ =	sdelay $0x1  }
0x15f: {  	v4 =	vld [tilespmem:s26+$0xFFFFFF40];
	[tilespmem:s26+$0xFFFFFF30] =	vst v1  }
0x160: {  	v5 =	vld [tilespmem:s24+$0xFFFFFF40];
	_ =	sdelay $0x4  }
0x161: {  	v1 =	vmul.f32 v5, v4;
	_ =	sdelay $0x1  }
0x162: {  	v1 =	vmul.f32 v1, v0;
	_ =	sdelay $0x1  }
0x163: {  	v6 =	vld [tilespmem:s26+$0xFFFFFF50];
	[tilespmem:s26+$0xFFFFFF40] =	vst v1  }
0x164: {  	v7 =	vld [tilespmem:s24+$0xFFFFFF50];
	_ =	sdelay $0x4  }
0x165: {  	v1 =	vmul.f32 v7, v6;
	_ =	sdelay $0x1  }
0x166: {  	v1 =	vmul.f32 v1, v0;
	_ =	sdelay $0x1  }
0x167: {  	v8 =	vld [tilespmem:s26+$0xFFFFFF60];
	[tilespmem:s26+$0xFFFFFF50] =	vst v1  }
0x168: {  	v9 =	vld [tilespmem:s24+$0xFFFFFF60];
	_ =	sdelay $0x4  }
0x169: {  	v1 =	vmul.f32 v9, v8;
	_ =	sdelay $0x1  }
0x16a: {  	v1 =	vmul.f32 v1, v0;
	_ =	sdelay $0x1  }
0x16b: {  	v10 =	vld [tilespmem:s26+$0xFFFFFF70];
	[tilespmem:s26+$0xFFFFFF60] =	vst v1  }
0x16c: {  	v11 =	vld [tilespmem:s24+$0xFFFFFF70];
	_ =	sdelay $0x2  }
0x16d: {  	s29 =	sadd.s32 $0x1, s28  }
0x16e: {  	v3 =	vmov s29  }
0x16f: {  	v12 =	vand.u32 $0xFFFFFFFD, v3;
	v1 =	vmul.f32 v11, v10  }
0x170: {  	v2 =	vbroadcast v12, $0x0  }
0x171: {  	v0 =	vmul.f32 v1, v0;
	_ =	sdelay $0x1  }
0x172: {  	v13 =	vld [tilespmem:s26+$0xFFFFFF80];
	[tilespmem:s26+$0xFFFFFF70] =	vst v0  }
0x173: {  	v14 =	vld [tilespmem:s24+$0xFFFFFF80];
	_ =	sdelay $0x1  }
0x174: {  	v2 =	vld.idx.msk [tilespmem:v2+s18+$0x0], $0xffff;
	_ =	sdelay $0x2  }
0x175: {  	v0 =	vmul.f32 v14, v13;
	_ =	sdelay $0x1  }
0x176: {  	v0 =	vmul.f32 v0, v2;
	_ =	sdelay $0x1  }
0x177: {  	v15 =	vld [tilespmem:s26+$0xFFFFFF90];
	[tilespmem:s26+$0xFFFFFF80] =	vst v0  }
0x178: {  	v16 =	vld [tilespmem:s24+$0xFFFFFF90];
	_ =	sdelay $0x4  }
0x179: {  	v0 =	vmul.f32 v16, v15;
	_ =	sdelay $0x1  }
0x17a: {  	v0 =	vmul.f32 v0, v2;
	_ =	sdelay $0x1  }
0x17b: {  	v17 =	vld [tilespmem:s26+$0xFFFFFFA0];
	[tilespmem:s26+$0xFFFFFF90] =	vst v0  }
0x17c: {  	v18 =	vld [tilespmem:s24+$0xFFFFFFA0];
	_ =	sdelay $0x4  }
0x17d: {  	v0 =	vmul.f32 v18, v17;
	_ =	sdelay $0x1  }
0x17e: {  	v0 =	vmul.f32 v0, v2;
	_ =	sdelay $0x1  }
0x17f: {  	v19 =	vld [tilespmem:s26+$0xFFFFFFB0];
	[tilespmem:s26+$0xFFFFFFA0] =	vst v0  }
0x180: {  	v20 =	vld [tilespmem:s24+$0xFFFFFFB0];
	_ =	sdelay $0x4  }
0x181: {  	v0 =	vmul.f32 v20, v19;
	_ =	sdelay $0x1  }
0x182: {  	v0 =	vmul.f32 v0, v2;
	_ =	sdelay $0x1  }
0x183: {  	v21 =	vld [tilespmem:s26+$0xFFFFFFC0];
	[tilespmem:s26+$0xFFFFFFB0] =	vst v0  }
0x184: {  	v22 =	vld [tilespmem:s24+$0xFFFFFFC0];
	_ =	sdelay $0x4  }
0x185: {  	v0 =	vmul.f32 v22, v21;
	_ =	sdelay $0x1  }
0x186: {  	v0 =	vmul.f32 v0, v2;
	_ =	sdelay $0x1  }
0x187: {  	v23 =	vld [tilespmem:s26+$0xFFFFFFD0];
	[tilespmem:s26+$0xFFFFFFC0] =	vst v0  }
0x188: {  	v24 =	vld [tilespmem:s24+$0xFFFFFFD0];
	_ =	sdelay $0x4  }
0x189: {  	v0 =	vmul.f32 v24, v23;
	_ =	sdelay $0x1  }
0x18a: {  	v0 =	vmul.f32 v0, v2;
	_ =	sdelay $0x1  }
0x18b: {  	v25 =	vld [tilespmem:s26+$0xFFFFFFE0];
	[tilespmem:s26+$0xFFFFFFD0] =	vst v0  }
0x18c: {  	v26 =	vld [tilespmem:s24+$0xFFFFFFE0];
	_ =	sdelay $0x4  }
0x18d: {  	v0 =	vmul.f32 v26, v25;
	_ =	sdelay $0x1  }
0x18e: {  	v0 =	vmul.f32 v0, v2;
	_ =	sdelay $0x1  }
0x18f: {  	v27 =	vld [tilespmem:s26+$0xFFFFFFF0];
	[tilespmem:s26+$0xFFFFFFE0] =	vst v0  }
0x190: {  	v28 =	vld [tilespmem:s24+$0xFFFFFFF0];
	_ =	sdelay $0x2  }
0x191: {  	s30 =	sadd.s32 $0x2, s28  }
0x192: {  	v29 =	vmov s30  }
0x193: {  	v30 =	vand.u32 $0xFFFFFFFE, v29;
	v0 =	vmul.f32 v28, v27  }
0x194: {  	v1 =	vbroadcast v30, $0x0  }
0x195: {  	v0 =	vmul.f32 v0, v2;
	_ =	sdelay $0x1  }
0x196: {  	v31 =	vld [tilespmem:s26+$0x0];
	[tilespmem:s26+$0xFFFFFFF0] =	vst v0  }
0x197: {  	v32 =	vld [tilespmem:s24+$0x0];
	_ =	sdelay $0x1  }
0x198: {  	v1 =	vld.idx.msk [tilespmem:v1+s18+$0x0], $0xffff;
	_ =	sdelay $0x2  }
0x199: {  	v0 =	vmul.f32 v32, v31;
	_ =	sdelay $0x1  }
0x19a: {  	v0 =	vmul.f32 v0, v1;
	_ =	sdelay $0x1  }
0x19b: {  	v33 =	vld [tilespmem:s26+$0x10];
	[tilespmem:s26+$0x0] =	vst v0  }
0x19c: {  	v34 =	vld [tilespmem:s24+$0x10];
	_ =	sdelay $0x4  }
0x19d: {  	v0 =	vmul.f32 v34, v33;
	_ =	sdelay $0x1  }
0x19e: {  	v0 =	vmul.f32 v0, v1;
	_ =	sdelay $0x1  }
0x19f: {  	v35 =	vld [tilespmem:s26+$0x20];
	[tilespmem:s26+$0x10] =	vst v0  }
0x1a0: {  	v36 =	vld [tilespmem:s24+$0x20];
	_ =	sdelay $0x4  }
0x1a1: {  	v0 =	vmul.f32 v36, v35;
	_ =	sdelay $0x1  }
0x1a2: {  	v0 =	vmul.f32 v0, v1;
	_ =	sdelay $0x1  }
0x1a3: {  	v37 =	vld [tilespmem:s26+$0x30];
	[tilespmem:s26+$0x20] =	vst v0  }
0x1a4: {  	v38 =	vld [tilespmem:s24+$0x30];
	_ =	sdelay $0x4  }
0x1a5: {  	v0 =	vmul.f32 v38, v37;
	_ =	sdelay $0x1  }
0x1a6: {  	v0 =	vmul.f32 v0, v1;
	_ =	sdelay $0x1  }
0x1a7: {  	v39 =	vld [tilespmem:s26+$0x40];
	[tilespmem:s26+$0x30] =	vst v0  }
0x1a8: {  	v40 =	vld [tilespmem:s24+$0x40];
	_ =	sdelay $0x4  }
0x1a9: {  	v0 =	vmul.f32 v40, v39;
	_ =	sdelay $0x1  }
0x1aa: {  	v0 =	vmul.f32 v0, v1;
	_ =	sdelay $0x1  }
0x1ab: {  	v41 =	vld [tilespmem:s26+$0x50];
	[tilespmem:s26+$0x40] =	vst v0  }
0x1ac: {  	v42 =	vld [tilespmem:s24+$0x50];
	_ =	sdelay $0x4  }
0x1ad: {  	v0 =	vmul.f32 v42, v41;
	_ =	sdelay $0x1  }
0x1ae: {  	v0 =	vmul.f32 v0, v1;
	_ =	sdelay $0x1  }
0x1af: {  	v43 =	vld [tilespmem:s26+$0x60];
	[tilespmem:s26+$0x50] =	vst v0  }
0x1b0: {  	v44 =	vld [tilespmem:s24+$0x60];
	_ =	sdelay $0x4  }
0x1b1: {  	v0 =	vmul.f32 v44, v43;
	_ =	sdelay $0x1  }
0x1b2: {  	v0 =	vmul.f32 v0, v1;
	_ =	sdelay $0x1  }
0x1b3: {  	v45 =	vld [tilespmem:s26+$0x70];
	[tilespmem:s26+$0x60] =	vst v0  }
0x1b4: {  	v46 =	vld [tilespmem:s24+$0x70];
	_ =	sdelay $0x4  }
0x1b5: {  	v0 =	vmul.f32 v46, v45  }
0x1b6: {  	s31 =	sadd.s32 $0x3, s28  }
0x1b7: {  	v47 =	vmov s31;
	v0 =	vmul.f32 v0, v1;
	_ =	sdelay $0x1  }
0x1b8: {  	v48 =	vld [tilespmem:s26+$0x80];
	[tilespmem:s26+$0x70] =	vst v0  }
0x1b9: {  	v49 =	vld [tilespmem:s24+$0x80];
	_ =	sdelay $0x1  }
0x1ba: {  	v1 =	vld.idx.msk [tilespmem:v47+s18+$0x0], $0xffff;
	_ =	sdelay $0x2  }
0x1bb: {  	v0 =	vmul.f32 v49, v48;
	_ =	sdelay $0x1  }
0x1bc: {  	v0 =	vmul.f32 v0, v1;
	_ =	sdelay $0x1  }
0x1bd: {  	v50 =	vld [tilespmem:s26+$0x90];
	[tilespmem:s26+$0x80] =	vst v0  }
0x1be: {  	v51 =	vld [tilespmem:s24+$0x90];
	_ =	sdelay $0x4  }
0x1bf: {  	v0 =	vmul.f32 v51, v50;
	_ =	sdelay $0x1  }
0x1c0: {  	v0 =	vmul.f32 v0, v1;
	_ =	sdelay $0x1  }
0x1c1: {  	v52 =	vld [tilespmem:s26+$0xA0];
	[tilespmem:s26+$0x90] =	vst v0  }
0x1c2: {  	v53 =	vld [tilespmem:s24+$0xA0];
	_ =	sdelay $0x4  }
0x1c3: {  	v0 =	vmul.f32 v53, v52;
	_ =	sdelay $0x1  }
0x1c4: {  	v0 =	vmul.f32 v0, v1;
	_ =	sdelay $0x1  }
0x1c5: {  	v54 =	vld [tilespmem:s26+$0xB0];
	[tilespmem:s26+$0xA0] =	vst v0  }
0x1c6: {  	v55 =	vld [tilespmem:s24+$0xB0];
	_ =	sdelay $0x4  }
0x1c7: {  	v0 =	vmul.f32 v55, v54;
	_ =	sdelay $0x1  }
0x1c8: {  	v0 =	vmul.f32 v0, v1;
	_ =	sdelay $0x1  }
0x1c9: {  	v56 =	vld [tilespmem:s26+$0xC0];
	[tilespmem:s26+$0xB0] =	vst v0  }
0x1ca: {  	v57 =	vld [tilespmem:s24+$0xC0];
	_ =	sdelay $0x4  }
0x1cb: {  	v0 =	vmul.f32 v57, v56;
	_ =	sdelay $0x1  }
0x1cc: {  	v0 =	vmul.f32 v0, v1;
	_ =	sdelay $0x1  }
0x1cd: {  	v58 =	vld [tilespmem:s26+$0xD0];
	[tilespmem:s26+$0xC0] =	vst v0  }
0x1ce: {  	v59 =	vld [tilespmem:s24+$0xD0];
	_ =	sdelay $0x4  }
0x1cf: {  	v0 =	vmul.f32 v59, v58;
	_ =	sdelay $0x1  }
0x1d0: {  	v0 =	vmul.f32 v0, v1;
	_ =	sdelay $0x1  }
0x1d1: {  	v60 =	vld [tilespmem:s26+$0xE0];
	[tilespmem:s26+$0xD0] =	vst v0  }
0x1d2: {  	v61 =	vld [tilespmem:s24+$0xE0];
	_ =	sdelay $0x4  }
0x1d3: {  	v0 =	vmul.f32 v61, v60;
	_ =	sdelay $0x1  }
0x1d4: {  	v0 =	vmul.f32 v0, v1;
	_ =	sdelay $0x1  }
0x1d5: {  	v62 =	vld [tilespmem:s26+$0xF0];
	[tilespmem:s26+$0xE0] =	vst v0  }
0x1d6: {  	v63 =	vld [tilespmem:s24+$0xF0];
	_ =	sdelay $0x4  }
0x1d7: {  	v0 =	vmul.f32 v63, v62;
	_ =	sdelay $0x1  }
0x1d8: {  	s23 =	sadd.s32 $0x1, s23;
	v0 =	vmul.f32 v0, v1  }
0x1d9: {  	p0 =	sne.s32 s23, $0x7D  }
.Ltmp1:
0x1da: {  	[tilespmem:s26+$0xF0] =	vst v0;
	(pc) =	sbr.rel @p0 .LBB2_2-.Ltmp1, $4  }
0x1db: {  	[spmem:s5] =	stream.indirect.scatter.add.f32 [tilespmem:s20], [sflag:$0x2], $0x80, s17, s19, $0xb8;
	[tilespmem:$0x19180] =	vst v63  }
0x1dc: {  	_ =	swait.ge [sflag:s15], $0x2800  }
0x1dd: {  	[sflag:s15] =	ssyncset.done $0x0  }
0x1de: {  	[sflag:s15] =	ssyncadd.s32 $0xFFFFD800  }
0x1df: {  	s6 =	sadd.s32 $0x1, s6  }
0x1e0: {  	p0 =	sne.s32 s6, s13  }
.Ltmp2:
0x1e1: {  	[bflag:$0x0] =	sbarrier.arrive $0xFFFF;
	(pc) =	sbr.rel @p0 .LBB2_1-.Ltmp2, $4  }
0x1e2: {  	[hbm:s12], [sflag:s10] =	dma.local [spmem:s14], $0x2800  }
0x1e3: {  	_ =	swait.ge [sflag:s15], $0x2800  }
0x1e4: {  	[sflag:s15] =	ssyncset.done $0x0  }
0x1e5: {  	[sflag:s15] =	ssyncadd.s32 $0xFFFFD800  }
0x1e6: {  	_ =	sfence.sel $0x180000  }
0x1e7: {  	[bflag:$0x0] =	sbarrier.arrive $0xFFFF  }
0x1e8: {  	p0 =	sne.s32 s3, $0x0;
	_ =	strace $0x90000047  }
0x1e9: {  	s0 =	sadd.s32 @!p0 $0x100000, s0;
	[bflag:$0x2] =	sbarrier.arrive $0xFFFF  }
0x1ea: {  	[sflag:s0] =	ssyncadd.tile.s32 @!p0 $0x1;
	_ =	shalt  }
.Lfunc_end2:
_tile_overlayer_lowered:
.L_overlay_start_2:
0x1eb: {  	(tag) =	ssettag $0x2  }
0x1ec: {  	s0 =	rddreg [dreg:$0x0];
	s2 =	stileid.u32  }
0x1ed: {  	s1 =	rddreg [dreg:$0x1];
	p0 =	sne.s32 s2, $0x0  }
0x1ee: {  	s3 =	rddreg [dreg:$0x2];
	[bflag:$0x3] =	sbarrier.arrive $0xFFFF;
	s2 =	simm.s32 @!p0 $0x1C02  }
0x1ef: {  	[timem:s3], [sflag:s2] =	dma.local @!p0 [hbm:s0], s1  }
0x1f0: {  	s0 =	simm.s32 @!p0 $0x2  }
0x1f1: {  	_ =	swait.ge @!p0 [sflag:s0], s1  }
0x1f2: {  	s1 =	ssub.s32 @!p0 $0x0, s1;
	[sflag:s0] =	ssyncset.done @!p0 $0x0  }
0x1f3: {  	[sflag:s0] =	ssyncadd.s32 @!p0 s1  }
0x1f4: {  	[bflag:$0x3] =	sbarrier.arrive $0xFFFF  }
0x1f5: {  	_ =	shalt  }

</sc_bundles>
